<compile_context>
chip_gen: v7x
topology: tpu7x:2x2x1
jax: 0.10.2.dev20260603
libtpu: 0.0.44.dev20260713+nightly
codegen_flags: <defaults>
</compile_context>

<pallas_src>
import functools

import jax
import jax.numpy as jnp
from jax import lax
from jax.experimental import pallas as pl
from jax.experimental.pallas import tpu as pltpu
from jax.experimental.pallas import tpu_sc as plsc

S = 2048
D = 768
H = 768
E = 64
K = 2
C = 96
NW = 32
JPW = (K * S) // NW
CH = 64
NCH = JPW // CH
PAD_ROWS = 8
EC = E * C



def _router_body(x_ref, wr_ref, g1_ref, g2_ref, d0_ref, d1_ref,
                 s0_ref, s1_ref, m0_ref, m1_ref, aux_ref):
    x = x_ref[...]
    wr = wr_ref[...]
    logits = jnp.dot(x, wr, preferred_element_type=jnp.float32)
    mx = jnp.max(logits, axis=1, keepdims=True)
    ex = jnp.exp(logits - mx)
    gates = ex / jnp.sum(ex, axis=1, keepdims=True)

    lane = lax.broadcasted_iota(jnp.int32, (S, E), 1)
    g1 = jnp.max(gates, axis=1, keepdims=True)
    i1 = jnp.min(jnp.where(gates == g1, lane, E), axis=1, keepdims=True)
    gates2 = jnp.where(lane == i1, -1.0, gates)
    g2 = jnp.max(gates2, axis=1, keepdims=True)
    i2 = jnp.min(jnp.where(gates2 == g2, lane, E), axis=1, keepdims=True)

    oh0 = (lane == i1).astype(jnp.float32)
    oh1 = (lane == i2).astype(jnp.float32)

    r = lax.broadcasted_iota(jnp.int32, (S, S), 0)
    c = lax.broadcasted_iota(jnp.int32, (S, S), 1)
    tri = (r >= c).astype(jnp.float32)
    cum0 = jnp.dot(tri, oh0, preferred_element_type=jnp.float32)
    tot0 = jnp.sum(oh0, axis=0, keepdims=True)
    cum1 = jnp.dot(tri, oh1, preferred_element_type=jnp.float32) + tot0

    pos0 = jnp.sum(cum0 * oh0, axis=1, keepdims=True) - 1.0
    pos1 = jnp.sum(cum1 * oh1, axis=1, keepdims=True) - 1.0
    w0 = (pos0 < C).astype(jnp.float32)
    w1 = (pos1 < C).astype(jnp.float32)
    p0 = jnp.clip(pos0, 0.0, C - 1.0).astype(jnp.int32)
    p1 = jnp.clip(pos1, 0.0, C - 1.0).astype(jnp.int32)
    d0 = i1 * C + p0
    d1 = i2 * C + p1

    srow = lax.broadcasted_iota(jnp.int32, (S, 1), 0)
    dump = EC + lax.rem(srow // JPW, PAD_ROWS)
    g1_ref[...] = g1
    g2_ref[...] = g2
    m0_ref[...] = w0
    m1_ref[...] = w1
    d0_ref[...] = jnp.where(w0 > 0.0, d0, 0)
    d1_ref[...] = jnp.where(w1 > 0.0, d1, 0)
    s0_ref[...] = jnp.where(w0 > 0.0, d0, dump)
    s1_ref[...] = jnp.where(w1 > 0.0, d1, dump)

    imp = jnp.sum(gates, axis=0, keepdims=True) * (1.0 / S)
    load = (jnp.sum(oh0 * w0, axis=0, keepdims=True)
            + jnp.sum(oh1 * w1, axis=0, keepdims=True)) * (1.0 / (K * S))
    aux_ref[...] = (E * jnp.sum(imp * load)).reshape(1, 1)


def _router(x2, wr):
    fl = jax.ShapeDtypeStruct((S, 1), jnp.float32)
    it = jax.ShapeDtypeStruct((S, 1), jnp.int32)
    return pl.pallas_call(
        _router_body,
        out_shape=(fl, fl, it, it, it, it, fl, fl,
                   jax.ShapeDtypeStruct((1, 1), jnp.float32)),
    )(x2, wr)



def _dispatch_body(x_hbm, ds_hbm, out_hbm, idx_v, rows_v, sem):
    wid = lax.axis_index("s") * 2 + lax.axis_index("c")
    src0 = lax.rem(wid, 16) * JPW
    pltpu.sync_copy(ds_hbm.at[wid], idx_v)
    for ch in range(NCH):
        pltpu.sync_copy(x_hbm.at[pl.ds(src0 + ch * CH, CH)], rows_v)
        pltpu.async_copy(rows_v, out_hbm.at[idx_v.at[ch]], sem).wait()


def _dispatch(x2, ds3):
    mesh = plsc.VectorSubcoreMesh(core_axis_name="c", subcore_axis_name="s")
    f = functools.partial(
        pl.kernel, _dispatch_body, mesh=mesh,
        out_type=jax.ShapeDtypeStruct((EC + PAD_ROWS, D), jnp.float32),
        scratch_types=[
            pltpu.VMEM((NCH, CH), jnp.int32),
            pltpu.VMEM((CH, D), jnp.float32),
            pltpu.SemaphoreType.DMA,
        ],
    )()
    return f(x2, ds3)



def _ffn_body(in_ref, w1_ref, b1_ref, w2_ref, b2_ref, out_ref):
    h = jnp.dot(in_ref[...], w1_ref[0], preferred_element_type=jnp.float32)
    h = jnp.maximum(h + b1_ref[0], 0.0)
    out_ref[...] = (jnp.dot(h, w2_ref[0], preferred_element_type=jnp.float32)
                    + b2_ref[0])


def _ffn(expert_in, w1, b1, w2, b2):
    return pl.pallas_call(
        _ffn_body,
        grid=(E,),
        in_specs=[
            pl.BlockSpec((C, D), lambda e: (e, 0)),
            pl.BlockSpec((1, D, H), lambda e: (e, 0, 0)),
            pl.BlockSpec((1, 1, H), lambda e: (e, 0, 0)),
            pl.BlockSpec((1, H, D), lambda e: (e, 0, 0)),
            pl.BlockSpec((1, 1, D), lambda e: (e, 0, 0)),
        ],
        out_specs=pl.BlockSpec((C, D), lambda e: (e, 0)),
        out_shape=jax.ShapeDtypeStruct((EC, D), jnp.float32),
    )(expert_in, w1, b1.reshape(E, 1, H), w2, b2.reshape(E, 1, D))



def _gather_body(eo_hbm, dd_hbm, out_hbm, idx_v, rows_v, sem):
    wid = lax.axis_index("s") * 2 + lax.axis_index("c")
    pltpu.sync_copy(dd_hbm.at[wid], idx_v)
    for ch in range(NCH):
        pltpu.async_copy(eo_hbm.at[idx_v.at[ch]], rows_v, sem).wait()
        pltpu.sync_copy(rows_v, out_hbm.at[pl.ds(wid * JPW + ch * CH, CH)])


def _gather(eo, dd3):
    mesh = plsc.VectorSubcoreMesh(core_axis_name="c", subcore_axis_name="s")
    f = functools.partial(
        pl.kernel, _gather_body, mesh=mesh,
        out_type=jax.ShapeDtypeStruct((K * S, D), jnp.float32),
        scratch_types=[
            pltpu.VMEM((NCH, CH), jnp.int32),
            pltpu.VMEM((CH, D), jnp.float32),
            pltpu.SemaphoreType.DMA,
        ],
    )()
    return f(eo, dd3)



def _combine_body(r0_ref, r1_ref, g1_ref, g2_ref, m0_ref, m1_ref, out_ref):
    z = jnp.zeros_like(r0_ref[...])
    c0 = jnp.where(jnp.broadcast_to(m0_ref[...] > 0.0, z.shape),
                   g1_ref[...] * r0_ref[...], z)
    c1 = jnp.where(jnp.broadcast_to(m1_ref[...] > 0.0, z.shape),
                   g2_ref[...] * r1_ref[...], z)
    out_ref[...] = c0 + c1


def _combine(gathered, g1, g2, m0, m1):
    nb = 8
    rb = S // nb
    col = pl.BlockSpec((rb, 1), lambda i: (i, 0))
    return pl.pallas_call(
        _combine_body,
        grid=(nb,),
        in_specs=[
            pl.BlockSpec((rb, D), lambda i: (i, 0)),
            pl.BlockSpec((rb, D), lambda i: (i + nb, 0)),
            col, col, col, col,
        ],
        out_specs=pl.BlockSpec((rb, D), lambda i: (i, 0)),
        out_shape=jax.ShapeDtypeStruct((S, D), jnp.float32),
    )(gathered, gathered, g1, g2, m0, m1)



def kernel(x, Wr, W1, b1, W2, b2):
    x2 = x.reshape(S, D)
    g1, g2, d0, d1, s0, s1, m0, m1, aux = _router(x2, Wr)
    ds3 = jnp.concatenate([s0, s1], axis=1).T.reshape(NW, NCH, CH)
    dd3 = jnp.concatenate([d0, d1], axis=1).T.reshape(NW, NCH, CH)
    expert_in = _dispatch(x2, ds3)
    eo = _ffn(expert_in, W1, b1, W2, b2)
    gathered = _gather(eo, dd3)
    out = _combine(gathered, g1, g2, m0, m1)
    return out.reshape(1, S, D), aux[0, 0]

# --- scband reference (transcript-rebuilt; emitter-appended) ---
"""Pipeline reference for scband-mixture-of-experts-78159814852666 (READ-ONLY COPY).

The authoritative reference and input builder live on the scoring server;
editing this copy changes nothing except your own understanding.
"""

import jax, jax.numpy as jnp
import numpy as np


def setup_inputs(seed: int = 0):
    key = jax.random.key(seed)
    ks = jax.random.split(key, 6)
    B, S, D, H, E = 1, 2048, 768, 768, 64
    x = jax.random.normal(ks[0], (B, S, D), dtype=jnp.float32)
    Wr = jax.random.normal(ks[1], (D, E), dtype=jnp.float32) * 0.02
    W1 = jax.random.normal(ks[2], (E, D, H), dtype=jnp.float32) * 0.02
    b1 = jnp.zeros((E, H), dtype=jnp.float32)
    W2 = jax.random.normal(ks[3], (E, H, D), dtype=jnp.float32) * 0.02
    b2 = jnp.zeros((E, D), dtype=jnp.float32)
    return {"x": x, "Wr": Wr, "W1": W1, "b1": b1, "W2": W2, "b2": b2}


def moe_forward(x, Wr, W1, b1, W2, b2, k=2, capacity_factor=1.5):
    B, S, D = x.shape
    E = Wr.shape[1]
    C = int(capacity_factor * S * k / E)
    # Router (deterministic: router_jitter disabled, eval-style dropout=0)
    logits = jnp.einsum('bsd,de->bse', x, Wr)
    gates = jax.nn.softmax(logits, axis=-1)
    top_g, top_i = jax.lax.top_k(gates, k)  # [B, S, k]
    # choice-major ordering: all choice-0 assignments (in seq order), then choice-1
    ti = jnp.transpose(top_i, (0, 2, 1)).reshape(B, k * S)
    tg = jnp.transpose(top_g, (0, 2, 1)).reshape(B, k * S)
    onehot = jax.nn.one_hot(ti, E, dtype=jnp.float32)  # [B, kS, E]
    pos = jnp.sum(jnp.cumsum(onehot, axis=1) * onehot, axis=-1) - 1.0  # position in expert buffer
    within = (pos < C).astype(jnp.float32)  # capacity mask (dispatch tensor support)
    pos_c = jnp.clip(pos, 0, C - 1).astype(jnp.int32)
    b_idx = jnp.broadcast_to(jnp.arange(B)[:, None], ti.shape)
    x_rep = jnp.tile(x, (1, k, 1))  # [B, kS, D], matching choice-major order
    # dispatch: scatter tokens into per-expert capacity buffers (equiv. einsum with one-hot dispatch tensor)
    expert_inputs = jnp.zeros((B, E, C, D), dtype=x.dtype).at[b_idx, ti, pos_c].add(x_rep * within[..., None])
    # ExpertLayer: Linear -> ReLU -> (dropout skipped) -> Linear, per expert
    h = jnp.maximum(jnp.einsum('becd,edh->bech', expert_inputs, W1) + b1[None, :, None, :], 0.0)
    eo = jnp.einsum('bech,eho->beco', h, W2) + b2[None, :, None, :]
    # combine: gather each token's routed expert output, weight by gate (combine tensor)
    gathered = eo[b_idx, ti, pos_c]  # [B, kS, D]
    contrib = gathered * (tg * within)[..., None]
    out = contrib.reshape(B, k, S, -1).sum(axis=1)
    # aux load-balancing loss
    importance = gates.mean(axis=(0, 1))
    load = (onehot * within[..., None]).sum(axis=(0, 1)) / (B * k * S)
    aux_loss = E * jnp.sum(importance * load)
    return out, aux_loss


def reference(x, Wr, W1, b1, W2, b2):
    out, aux_loss = moe_forward(x, Wr, W1, b1, W2, b2, k=2, capacity_factor=1.5)
    return (out, aux_loss)

if __name__ == "__main__":
    import jax
    _d = setup_inputs()
    print(jax.jit(kernel)(*tuple(_d.values())))

</pallas_src>

<mosaic_0001>
#map = affine_map<(d0, d1) -> (0, 0)>
#map1 = affine_map<(d0, d1) -> (0, 0, 0)>
module attributes {stable_mosaic.version = 14 : i64} {
  func.func @_dispatch_body(%arg0: i32, %arg1: i32, %arg2: memref<2048x768xf32, #tpu.memory_space<hbm>>, %arg3: memref<32x2x64xi32, #tpu.memory_space<hbm>>, %arg4: memref<6152x768xf32, #tpu.memory_space<hbm>>, %arg5: memref<2x64xi32, #tpu.memory_space<vmem>>, %arg6: memref<64x768xf32, #tpu.memory_space<vmem>>, %arg7: memref<!tpu.dma_semaphore, #tpu.memory_space<semaphore_mem>>) attributes {dimension_semantics = [#tpu.dimension_semantics<core_parallel>, #tpu.dimension_semantics<subcore_parallel>], iteration_bounds = array<i64: 2, 16>, scalar_prefetch = 0 : i64, scratch_operands = 3 : i64, tpu.core_type = #tpu.core_type<sc_vector_subcore>, window_params = [{transform_indices = #map}, {transform_indices = #map1}, {transform_indices = #map}]} {
    %mul3A = arith.constant 2 : i32
    %mul3A_0 = arith.muli %arg1, %mul3A : i32
    %add3A = arith.addi %mul3A_0, %arg0 : i32
    %rem3A = arith.constant 16 : i32
    %rem3A_1 = arith.remsi %add3A, %rem3A : i32
    %mul3A_2 = arith.constant 128 : i32
    %mul3A_3 = arith.muli %rem3A_1, %mul3A_2 : i32
    "tpu.region"() ({
      %run_scoped3A = tpu.sem_alloc : memref<!tpu.dma_semaphore, #tpu.memory_space<semaphore_mem>>
      %dma_start3A_34 = arith.constant 0 : i32
      %dma_start3A_35 = arith.constant 0 : i32
      %dma_start3A_36 = tpu.memref_slice %arg3[%add3A, %dma_start3A_34, %dma_start3A_35] : memref<32x2x64xi32, #tpu.memory_space<hbm>> -> memref<1x2x64xi32, #tpu.memory_space<hbm>>
      %dma_start3A_37 = tpu.memref_squeeze %dma_start3A_36 : memref<1x2x64xi32, #tpu.memory_space<hbm>> -> memref<2x64xi32, #tpu.memory_space<hbm>>
      %dma_start3A_38 = arith.constant 0 : i32
      %dma_start3A_39 = arith.constant 0 : i32
      %dma_start3A_40 = tpu.memref_slice %arg3[%add3A, %dma_start3A_38, %dma_start3A_39] : memref<32x2x64xi32, #tpu.memory_space<hbm>> -> memref<1x2x64xi32, #tpu.memory_space<hbm>>
      %dma_start3A_41 = tpu.memref_squeeze %dma_start3A_40 : memref<1x2x64xi32, #tpu.memory_space<hbm>> -> memref<2x64xi32, #tpu.memory_space<hbm>>
      tpu.enqueue_dma source(%dma_start3A_41 : memref<2x64xi32, #tpu.memory_space<hbm>>) target(%arg5 : memref<2x64xi32, #tpu.memory_space<vmem>>) target_semaphore(%run_scoped3A : memref<!tpu.dma_semaphore, #tpu.memory_space<semaphore_mem>>)
      %dma_wait3A_42 = arith.constant 0 : i32
      %dma_wait3A_43 = arith.constant 0 : i32
      %dma_wait3A_44 = tpu.memref_slice %arg3[%add3A, %dma_wait3A_42, %dma_wait3A_43] : memref<32x2x64xi32, #tpu.memory_space<hbm>> -> memref<1x2x64xi32, #tpu.memory_space<hbm>>
      %dma_wait3A_45 = tpu.memref_squeeze %dma_wait3A_44 : memref<1x2x64xi32, #tpu.memory_space<hbm>> -> memref<2x64xi32, #tpu.memory_space<hbm>>
      %dma_wait3A_46 = arith.constant 0 : i32
      %dma_wait3A_47 = arith.constant 0 : i32
      %dma_wait3A_48 = tpu.memref_slice %arg3[%add3A, %dma_wait3A_46, %dma_wait3A_47] : memref<32x2x64xi32, #tpu.memory_space<hbm>> -> memref<1x2x64xi32, #tpu.memory_space<hbm>>
      %dma_wait3A_49 = tpu.memref_squeeze %dma_wait3A_48 : memref<1x2x64xi32, #tpu.memory_space<hbm>> -> memref<2x64xi32, #tpu.memory_space<hbm>>
      tpu.wait_dma2 semaphore(%run_scoped3A : memref<!tpu.dma_semaphore, #tpu.memory_space<semaphore_mem>>) src(%dma_wait3A_49 : memref<2x64xi32, #tpu.memory_space<hbm>>) dst(%arg5 : memref<2x64xi32, #tpu.memory_space<vmem>>)
      tpu.yield
    }) : () -> ()
    %add3A_4 = arith.constant 0 : i32
    %add3A_5 = arith.addi %mul3A_3, %add3A_4 : i32
    "tpu.region"() ({
      %run_scoped3A = tpu.sem_alloc : memref<!tpu.dma_semaphore, #tpu.memory_space<semaphore_mem>>
      %dma_start3A_34 = arith.constant 0 : i32
      %dma_start3A_35 = tpu.memref_slice %arg2[%add3A_5, %dma_start3A_34] : memref<2048x768xf32, #tpu.memory_space<hbm>> -> memref<64x768xf32, #tpu.memory_space<hbm>>
      %dma_start3A_36 = arith.constant 0 : i32
      %dma_start3A_37 = tpu.memref_slice %arg2[%add3A_5, %dma_start3A_36] : memref<2048x768xf32, #tpu.memory_space<hbm>> -> memref<64x768xf32, #tpu.memory_space<hbm>>
      tpu.enqueue_dma source(%dma_start3A_37 : memref<64x768xf32, #tpu.memory_space<hbm>>) target(%arg6 : memref<64x768xf32, #tpu.memory_space<vmem>>) target_semaphore(%run_scoped3A : memref<!tpu.dma_semaphore, #tpu.memory_space<semaphore_mem>>)
      %dma_wait3A_38 = arith.constant 0 : i32
      %dma_wait3A_39 = tpu.memref_slice %arg2[%add3A_5, %dma_wait3A_38] : memref<2048x768xf32, #tpu.memory_space<hbm>> -> memref<64x768xf32, #tpu.memory_space<hbm>>
      %dma_wait3A_40 = arith.constant 0 : i32
      %dma_wait3A_41 = tpu.memref_slice %arg2[%add3A_5, %dma_wait3A_40] : memref<2048x768xf32, #tpu.memory_space<hbm>> -> memref<64x768xf32, #tpu.memory_space<hbm>>
      tpu.wait_dma2 semaphore(%run_scoped3A : memref<!tpu.dma_semaphore, #tpu.memory_space<semaphore_mem>>) src(%dma_wait3A_41 : memref<64x768xf32, #tpu.memory_space<hbm>>) dst(%arg6 : memref<64x768xf32, #tpu.memory_space<vmem>>)
      tpu.yield
    }) : () -> ()
    %dma_start3A = arith.constant 0 : i32
    %dma_start3A_6 = arith.constant 0 : i32
    %dma_start3A_7 = tpu.memref_slice %arg5[%dma_start3A, %dma_start3A_6] : memref<2x64xi32, #tpu.memory_space<vmem>> -> memref<1x64xi32, #tpu.memory_space<vmem>>
    %dma_start3A_8 = tpu.memref_squeeze %dma_start3A_7 : memref<1x64xi32, #tpu.memory_space<vmem>> -> memref<64xi32, #tpu.memory_space<vmem>>
    %dma_start3A_9 = arith.constant 0 : i32
    %dma_start3A_10 = arith.constant 0 : i32
    %dma_start3A_11 = tpu.memref_slice %arg4[%dma_start3A_9, %dma_start3A_10] : memref<6152x768xf32, #tpu.memory_space<hbm>> -> memref<6152x768xf32, #tpu.memory_space<hbm>>
    tpu.enqueue_indirect_dma source(%arg6 : memref<64x768xf32, #tpu.memory_space<vmem>>) target(%dma_start3A_11 : memref<6152x768xf32, #tpu.memory_space<hbm>>) offsets(%dma_start3A_8 : memref<64xi32, #tpu.memory_space<vmem>>) semaphore(%arg7 : memref<!tpu.dma_semaphore, #tpu.memory_space<semaphore_mem>>)
    %dma_wait3A = arith.constant 0 : i32
    %dma_wait3A_12 = arith.constant 0 : i32
    %dma_wait3A_13 = tpu.memref_slice %arg5[%dma_wait3A, %dma_wait3A_12] : memref<2x64xi32, #tpu.memory_space<vmem>> -> memref<1x64xi32, #tpu.memory_space<vmem>>
    %dma_wait3A_14 = tpu.memref_squeeze %dma_wait3A_13 : memref<1x64xi32, #tpu.memory_space<vmem>> -> memref<64xi32, #tpu.memory_space<vmem>>
    %dma_wait3A_15 = arith.constant 0 : i32
    %dma_wait3A_16 = arith.constant 0 : i32
    %dma_wait3A_17 = tpu.memref_slice %arg4[%dma_wait3A_15, %dma_wait3A_16] : memref<6152x768xf32, #tpu.memory_space<hbm>> -> memref<6152x768xf32, #tpu.memory_space<hbm>>
    tpu.wait_indirect_dma semaphore(%arg7 : memref<!tpu.dma_semaphore, #tpu.memory_space<semaphore_mem>>) src(%arg6 : memref<64x768xf32, #tpu.memory_space<vmem>>) dst(%dma_wait3A_17 : memref<6152x768xf32, #tpu.memory_space<hbm>>)
    %add3A_18 = arith.constant 64 : i32
    %add3A_19 = arith.addi %mul3A_3, %add3A_18 : i32
    "tpu.region"() ({
      %run_scoped3A = tpu.sem_alloc : memref<!tpu.dma_semaphore, #tpu.memory_space<semaphore_mem>>
      %dma_start3A_34 = arith.constant 0 : i32
      %dma_start3A_35 = tpu.memref_slice %arg2[%add3A_19, %dma_start3A_34] : memref<2048x768xf32, #tpu.memory_space<hbm>> -> memref<64x768xf32, #tpu.memory_space<hbm>>
      %dma_start3A_36 = arith.constant 0 : i32
      %dma_start3A_37 = tpu.memref_slice %arg2[%add3A_19, %dma_start3A_36] : memref<2048x768xf32, #tpu.memory_space<hbm>> -> memref<64x768xf32, #tpu.memory_space<hbm>>
      tpu.enqueue_dma source(%dma_start3A_37 : memref<64x768xf32, #tpu.memory_space<hbm>>) target(%arg6 : memref<64x768xf32, #tpu.memory_space<vmem>>) target_semaphore(%run_scoped3A : memref<!tpu.dma_semaphore, #tpu.memory_space<semaphore_mem>>)
      %dma_wait3A_38 = arith.constant 0 : i32
      %dma_wait3A_39 = tpu.memref_slice %arg2[%add3A_19, %dma_wait3A_38] : memref<2048x768xf32, #tpu.memory_space<hbm>> -> memref<64x768xf32, #tpu.memory_space<hbm>>
      %dma_wait3A_40 = arith.constant 0 : i32
      %dma_wait3A_41 = tpu.memref_slice %arg2[%add3A_19, %dma_wait3A_40] : memref<2048x768xf32, #tpu.memory_space<hbm>> -> memref<64x768xf32, #tpu.memory_space<hbm>>
      tpu.wait_dma2 semaphore(%run_scoped3A : memref<!tpu.dma_semaphore, #tpu.memory_space<semaphore_mem>>) src(%dma_wait3A_41 : memref<64x768xf32, #tpu.memory_space<hbm>>) dst(%arg6 : memref<64x768xf32, #tpu.memory_space<vmem>>)
      tpu.yield
    }) : () -> ()
    %dma_start3A_20 = arith.constant 1 : i32
    %dma_start3A_21 = arith.constant 0 : i32
    %dma_start3A_22 = tpu.memref_slice %arg5[%dma_start3A_20, %dma_start3A_21] : memref<2x64xi32, #tpu.memory_space<vmem>> -> memref<1x64xi32, #tpu.memory_space<vmem>>
    %dma_start3A_23 = tpu.memref_squeeze %dma_start3A_22 : memref<1x64xi32, #tpu.memory_space<vmem>> -> memref<64xi32, #tpu.memory_space<vmem>>
    %dma_start3A_24 = arith.constant 0 : i32
    %dma_start3A_25 = arith.constant 0 : i32
    %dma_start3A_26 = tpu.memref_slice %arg4[%dma_start3A_24, %dma_start3A_25] : memref<6152x768xf32, #tpu.memory_space<hbm>> -> memref<6152x768xf32, #tpu.memory_space<hbm>>
    tpu.enqueue_indirect_dma source(%arg6 : memref<64x768xf32, #tpu.memory_space<vmem>>) target(%dma_start3A_26 : memref<6152x768xf32, #tpu.memory_space<hbm>>) offsets(%dma_start3A_23 : memref<64xi32, #tpu.memory_space<vmem>>) semaphore(%arg7 : memref<!tpu.dma_semaphore, #tpu.memory_space<semaphore_mem>>)
    %dma_wait3A_27 = arith.constant 1 : i32
    %dma_wait3A_28 = arith.constant 0 : i32
    %dma_wait3A_29 = tpu.memref_slice %arg5[%dma_wait3A_27, %dma_wait3A_28] : memref<2x64xi32, #tpu.memory_space<vmem>> -> memref<1x64xi32, #tpu.memory_space<vmem>>
    %dma_wait3A_30 = tpu.memref_squeeze %dma_wait3A_29 : memref<1x64xi32, #tpu.memory_space<vmem>> -> memref<64xi32, #tpu.memory_space<vmem>>
    %dma_wait3A_31 = arith.constant 0 : i32
    %dma_wait3A_32 = arith.constant 0 : i32
    %dma_wait3A_33 = tpu.memref_slice %arg4[%dma_wait3A_31, %dma_wait3A_32] : memref<6152x768xf32, #tpu.memory_space<hbm>> -> memref<6152x768xf32, #tpu.memory_space<hbm>>
    tpu.wait_indirect_dma semaphore(%arg7 : memref<!tpu.dma_semaphore, #tpu.memory_space<semaphore_mem>>) src(%arg6 : memref<64x768xf32, #tpu.memory_space<vmem>>) dst(%dma_wait3A_33 : memref<6152x768xf32, #tpu.memory_space<hbm>>)
    return
  }
}

#map = affine_map<(d0, d1) -> (0, 0)>
#map1 = affine_map<(d0, d1) -> (0, 0, 0)>
module attributes {stable_mosaic.version = 14 : i64} {
  func.func @_gather_body(%arg0: i32, %arg1: i32, %arg2: memref<6144x768xf32, #tpu.memory_space<hbm>>, %arg3: memref<32x2x64xi32, #tpu.memory_space<hbm>>, %arg4: memref<4096x768xf32, #tpu.memory_space<hbm>>, %arg5: memref<2x64xi32, #tpu.memory_space<vmem>>, %arg6: memref<64x768xf32, #tpu.memory_space<vmem>>, %arg7: memref<!tpu.dma_semaphore, #tpu.memory_space<semaphore_mem>>) attributes {dimension_semantics = [#tpu.dimension_semantics<core_parallel>, #tpu.dimension_semantics<subcore_parallel>], iteration_bounds = array<i64: 2, 16>, scalar_prefetch = 0 : i64, scratch_operands = 3 : i64, tpu.core_type = #tpu.core_type<sc_vector_subcore>, window_params = [{transform_indices = #map}, {transform_indices = #map1}, {transform_indices = #map}]} {
    %mul3A = arith.constant 2 : i32
    %mul3A_0 = arith.muli %arg1, %mul3A : i32
    %add3A = arith.addi %mul3A_0, %arg0 : i32
    "tpu.region"() ({
      %run_scoped3A = tpu.sem_alloc : memref<!tpu.dma_semaphore, #tpu.memory_space<semaphore_mem>>
      %dma_start3A_35 = arith.constant 0 : i32
      %dma_start3A_36 = arith.constant 0 : i32
      %dma_start3A_37 = tpu.memref_slice %arg3[%add3A, %dma_start3A_35, %dma_start3A_36] : memref<32x2x64xi32, #tpu.memory_space<hbm>> -> memref<1x2x64xi32, #tpu.memory_space<hbm>>
      %dma_start3A_38 = tpu.memref_squeeze %dma_start3A_37 : memref<1x2x64xi32, #tpu.memory_space<hbm>> -> memref<2x64xi32, #tpu.memory_space<hbm>>
      %dma_start3A_39 = arith.constant 0 : i32
      %dma_start3A_40 = arith.constant 0 : i32
      %dma_start3A_41 = tpu.memref_slice %arg3[%add3A, %dma_start3A_39, %dma_start3A_40] : memref<32x2x64xi32, #tpu.memory_space<hbm>> -> memref<1x2x64xi32, #tpu.memory_space<hbm>>
      %dma_start3A_42 = tpu.memref_squeeze %dma_start3A_41 : memref<1x2x64xi32, #tpu.memory_space<hbm>> -> memref<2x64xi32, #tpu.memory_space<hbm>>
      tpu.enqueue_dma source(%dma_start3A_42 : memref<2x64xi32, #tpu.memory_space<hbm>>) target(%arg5 : memref<2x64xi32, #tpu.memory_space<vmem>>) target_semaphore(%run_scoped3A : memref<!tpu.dma_semaphore, #tpu.memory_space<semaphore_mem>>)
      %dma_wait3A_43 = arith.constant 0 : i32
      %dma_wait3A_44 = arith.constant 0 : i32
      %dma_wait3A_45 = tpu.memref_slice %arg3[%add3A, %dma_wait3A_43, %dma_wait3A_44] : memref<32x2x64xi32, #tpu.memory_space<hbm>> -> memref<1x2x64xi32, #tpu.memory_space<hbm>>
      %dma_wait3A_46 = tpu.memref_squeeze %dma_wait3A_45 : memref<1x2x64xi32, #tpu.memory_space<hbm>> -> memref<2x64xi32, #tpu.memory_space<hbm>>
      %dma_wait3A_47 = arith.constant 0 : i32
      %dma_wait3A_48 = arith.constant 0 : i32
      %dma_wait3A_49 = tpu.memref_slice %arg3[%add3A, %dma_wait3A_47, %dma_wait3A_48] : memref<32x2x64xi32, #tpu.memory_space<hbm>> -> memref<1x2x64xi32, #tpu.memory_space<hbm>>
      %dma_wait3A_50 = tpu.memref_squeeze %dma_wait3A_49 : memref<1x2x64xi32, #tpu.memory_space<hbm>> -> memref<2x64xi32, #tpu.memory_space<hbm>>
      tpu.wait_dma2 semaphore(%run_scoped3A : memref<!tpu.dma_semaphore, #tpu.memory_space<semaphore_mem>>) src(%dma_wait3A_50 : memref<2x64xi32, #tpu.memory_space<hbm>>) dst(%arg5 : memref<2x64xi32, #tpu.memory_space<vmem>>)
      tpu.yield
    }) : () -> ()
    %dma_start3A = arith.constant 0 : i32
    %dma_start3A_1 = arith.constant 0 : i32
    %dma_start3A_2 = tpu.memref_slice %arg5[%dma_start3A, %dma_start3A_1] : memref<2x64xi32, #tpu.memory_space<vmem>> -> memref<1x64xi32, #tpu.memory_space<vmem>>
    %dma_start3A_3 = tpu.memref_squeeze %dma_start3A_2 : memref<1x64xi32, #tpu.memory_space<vmem>> -> memref<64xi32, #tpu.memory_space<vmem>>
    %dma_start3A_4 = arith.constant 0 : i32
    %dma_start3A_5 = arith.constant 0 : i32
    %dma_start3A_6 = tpu.memref_slice %arg2[%dma_start3A_4, %dma_start3A_5] : memref<6144x768xf32, #tpu.memory_space<hbm>> -> memref<6144x768xf32, #tpu.memory_space<hbm>>
    tpu.enqueue_indirect_dma source(%dma_start3A_6 : memref<6144x768xf32, #tpu.memory_space<hbm>>) target(%arg6 : memref<64x768xf32, #tpu.memory_space<vmem>>) offsets(%dma_start3A_3 : memref<64xi32, #tpu.memory_space<vmem>>) semaphore(%arg7 : memref<!tpu.dma_semaphore, #tpu.memory_space<semaphore_mem>>)
    %dma_wait3A = arith.constant 0 : i32
    %dma_wait3A_7 = arith.constant 0 : i32
    %dma_wait3A_8 = tpu.memref_slice %arg5[%dma_wait3A, %dma_wait3A_7] : memref<2x64xi32, #tpu.memory_space<vmem>> -> memref<1x64xi32, #tpu.memory_space<vmem>>
    %dma_wait3A_9 = tpu.memref_squeeze %dma_wait3A_8 : memref<1x64xi32, #tpu.memory_space<vmem>> -> memref<64xi32, #tpu.memory_space<vmem>>
    %dma_wait3A_10 = arith.constant 0 : i32
    %dma_wait3A_11 = arith.constant 0 : i32
    %dma_wait3A_12 = tpu.memref_slice %arg2[%dma_wait3A_10, %dma_wait3A_11] : memref<6144x768xf32, #tpu.memory_space<hbm>> -> memref<6144x768xf32, #tpu.memory_space<hbm>>
    tpu.wait_indirect_dma semaphore(%arg7 : memref<!tpu.dma_semaphore, #tpu.memory_space<semaphore_mem>>) src(%dma_wait3A_12 : memref<6144x768xf32, #tpu.memory_space<hbm>>) dst(%arg6 : memref<64x768xf32, #tpu.memory_space<vmem>>)
    %mul3A_13 = arith.constant 128 : i32
    %mul3A_14 = arith.muli %add3A, %mul3A_13 : i32
    %add3A_15 = arith.constant 0 : i32
    %add3A_16 = arith.addi %mul3A_14, %add3A_15 : i32
    "tpu.region"() ({
      %run_scoped3A = tpu.sem_alloc : memref<!tpu.dma_semaphore, #tpu.memory_space<semaphore_mem>>
      %dma_start3A_35 = arith.constant 0 : i32
      %dma_start3A_36 = tpu.memref_slice %arg4[%add3A_16, %dma_start3A_35] : memref<4096x768xf32, #tpu.memory_space<hbm>> -> memref<64x768xf32, #tpu.memory_space<hbm>>
      %dma_start3A_37 = arith.constant 0 : i32
      %dma_start3A_38 = tpu.memref_slice %arg4[%add3A_16, %dma_start3A_37] : memref<4096x768xf32, #tpu.memory_space<hbm>> -> memref<64x768xf32, #tpu.memory_space<hbm>>
      tpu.enqueue_dma source(%arg6 : memref<64x768xf32, #tpu.memory_space<vmem>>) target(%dma_start3A_38 : memref<64x768xf32, #tpu.memory_space<hbm>>) target_semaphore(%run_scoped3A : memref<!tpu.dma_semaphore, #tpu.memory_space<semaphore_mem>>)
      %dma_wait3A_39 = arith.constant 0 : i32
      %dma_wait3A_40 = tpu.memref_slice %arg4[%add3A_16, %dma_wait3A_39] : memref<4096x768xf32, #tpu.memory_space<hbm>> -> memref<64x768xf32, #tpu.memory_space<hbm>>
      %dma_wait3A_41 = arith.constant 0 : i32
      %dma_wait3A_42 = tpu.memref_slice %arg4[%add3A_16, %dma_wait3A_41] : memref<4096x768xf32, #tpu.memory_space<hbm>> -> memref<64x768xf32, #tpu.memory_space<hbm>>
      tpu.wait_dma2 semaphore(%run_scoped3A : memref<!tpu.dma_semaphore, #tpu.memory_space<semaphore_mem>>) src(%arg6 : memref<64x768xf32, #tpu.memory_space<vmem>>) dst(%dma_wait3A_42 : memref<64x768xf32, #tpu.memory_space<hbm>>)
      tpu.yield
    }) : () -> ()
    %dma_start3A_17 = arith.constant 1 : i32
    %dma_start3A_18 = arith.constant 0 : i32
    %dma_start3A_19 = tpu.memref_slice %arg5[%dma_start3A_17, %dma_start3A_18] : memref<2x64xi32, #tpu.memory_space<vmem>> -> memref<1x64xi32, #tpu.memory_space<vmem>>
    %dma_start3A_20 = tpu.memref_squeeze %dma_start3A_19 : memref<1x64xi32, #tpu.memory_space<vmem>> -> memref<64xi32, #tpu.memory_space<vmem>>
    %dma_start3A_21 = arith.constant 0 : i32
    %dma_start3A_22 = arith.constant 0 : i32
    %dma_start3A_23 = tpu.memref_slice %arg2[%dma_start3A_21, %dma_start3A_22] : memref<6144x768xf32, #tpu.memory_space<hbm>> -> memref<6144x768xf32, #tpu.memory_space<hbm>>
    tpu.enqueue_indirect_dma source(%dma_start3A_23 : memref<6144x768xf32, #tpu.memory_space<hbm>>) target(%arg6 : memref<64x768xf32, #tpu.memory_space<vmem>>) offsets(%dma_start3A_20 : memref<64xi32, #tpu.memory_space<vmem>>) semaphore(%arg7 : memref<!tpu.dma_semaphore, #tpu.memory_space<semaphore_mem>>)
    %dma_wait3A_24 = arith.constant 1 : i32
    %dma_wait3A_25 = arith.constant 0 : i32
    %dma_wait3A_26 = tpu.memref_slice %arg5[%dma_wait3A_24, %dma_wait3A_25] : memref<2x64xi32, #tpu.memory_space<vmem>> -> memref<1x64xi32, #tpu.memory_space<vmem>>
    %dma_wait3A_27 = tpu.memref_squeeze %dma_wait3A_26 : memref<1x64xi32, #tpu.memory_space<vmem>> -> memref<64xi32, #tpu.memory_space<vmem>>
    %dma_wait3A_28 = arith.constant 0 : i32
    %dma_wait3A_29 = arith.constant 0 : i32
    %dma_wait3A_30 = tpu.memref_slice %arg2[%dma_wait3A_28, %dma_wait3A_29] : memref<6144x768xf32, #tpu.memory_space<hbm>> -> memref<6144x768xf32, #tpu.memory_space<hbm>>
    tpu.wait_indirect_dma semaphore(%arg7 : memref<!tpu.dma_semaphore, #tpu.memory_space<semaphore_mem>>) src(%dma_wait3A_30 : memref<6144x768xf32, #tpu.memory_space<hbm>>) dst(%arg6 : memref<64x768xf32, #tpu.memory_space<vmem>>)
    %mul3A_31 = arith.constant 128 : i32
    %mul3A_32 = arith.muli %add3A, %mul3A_31 : i32
    %add3A_33 = arith.constant 64 : i32
    %add3A_34 = arith.addi %mul3A_32, %add3A_33 : i32
    "tpu.region"() ({
      %run_scoped3A = tpu.sem_alloc : memref<!tpu.dma_semaphore, #tpu.memory_space<semaphore_mem>>
      %dma_start3A_35 = arith.constant 0 : i32
      %dma_start3A_36 = tpu.memref_slice %arg4[%add3A_34, %dma_start3A_35] : memref<4096x768xf32, #tpu.memory_space<hbm>> -> memref<64x768xf32, #tpu.memory_space<hbm>>
      %dma_start3A_37 = arith.constant 0 : i32
      %dma_start3A_38 = tpu.memref_slice %arg4[%add3A_34, %dma_start3A_37] : memref<4096x768xf32, #tpu.memory_space<hbm>> -> memref<64x768xf32, #tpu.memory_space<hbm>>
      tpu.enqueue_dma source(%arg6 : memref<64x768xf32, #tpu.memory_space<vmem>>) target(%dma_start3A_38 : memref<64x768xf32, #tpu.memory_space<hbm>>) target_semaphore(%run_scoped3A : memref<!tpu.dma_semaphore, #tpu.memory_space<semaphore_mem>>)
      %dma_wait3A_39 = arith.constant 0 : i32
      %dma_wait3A_40 = tpu.memref_slice %arg4[%add3A_34, %dma_wait3A_39] : memref<4096x768xf32, #tpu.memory_space<hbm>> -> memref<64x768xf32, #tpu.memory_space<hbm>>
      %dma_wait3A_41 = arith.constant 0 : i32
      %dma_wait3A_42 = tpu.memref_slice %arg4[%add3A_34, %dma_wait3A_41] : memref<4096x768xf32, #tpu.memory_space<hbm>> -> memref<64x768xf32, #tpu.memory_space<hbm>>
      tpu.wait_dma2 semaphore(%run_scoped3A : memref<!tpu.dma_semaphore, #tpu.memory_space<semaphore_mem>>) src(%arg6 : memref<64x768xf32, #tpu.memory_space<vmem>>) dst(%dma_wait3A_42 : memref<64x768xf32, #tpu.memory_space<hbm>>)
      tpu.yield
    }) : () -> ()
    return
  }
}

module attributes {stable_mosaic.version = 14 : i64} {
  func.func @_router_body(%arg0: memref<2048x768xf32, #tpu.memory_space<vmem>>, %arg1: memref<768x64xf32, #tpu.memory_space<vmem>>, %arg2: memref<2048x1xf32, #tpu.memory_space<vmem>>, %arg3: memref<2048x1xf32, #tpu.memory_space<vmem>>, %arg4: memref<2048x1xi32, #tpu.memory_space<vmem>>, %arg5: memref<2048x1xi32, #tpu.memory_space<vmem>>, %arg6: memref<2048x1xi32, #tpu.memory_space<vmem>>, %arg7: memref<2048x1xi32, #tpu.memory_space<vmem>>, %arg8: memref<2048x1xf32, #tpu.memory_space<vmem>>, %arg9: memref<2048x1xf32, #tpu.memory_space<vmem>>, %arg10: memref<1x1xf32, #tpu.memory_space<vmem>>) attributes {dimension_semantics = [], scalar_prefetch = 0 : i64, scratch_operands = 0 : i64, tpu.core_type = #tpu.core_type<tc>} {
    %get3A = arith.constant 0 : index
    %get3A_0 = arith.constant 0 : index
    %get3A_1 = vector.load %arg0[%get3A, %get3A_0] : memref<2048x768xf32, #tpu.memory_space<vmem>>, vector<2048x768xf32>
    %get3A_2 = arith.constant 0 : index
    %get3A_3 = arith.constant 0 : index
    %get3A_4 = vector.load %arg1[%get3A_2, %get3A_3] : memref<768x64xf32, #tpu.memory_space<vmem>>, vector<768x64xf32>
    %dot_general3A = arith.constant dense<0.000000e+00> : vector<2048x64xf32>
    %dot_general3A_5 = tpu.matmul %get3A_1, %get3A_4, %dot_general3A {dimension_numbers = #tpu.dot_dimension_numbers<[1], [0], [0], [1], [0, 0, 1, 1], [], []>, transpose_lhs_hint = false} : vector<2048x768xf32>, vector<768x64xf32>, vector<2048x64xf32> -> vector<2048x64xf32>
    %reduce_max3A = arith.constant dense<0xFF800000> : vector<2048xf32>
    %reduce_max3A_6 = vector.multi_reduction <maximumf>, %dot_general3A_5, %reduce_max3A [1] : vector<2048x64xf32> to vector<2048xf32>
    %broadcast_in_dim3A = vector.shape_cast %reduce_max3A_6 : vector<2048xf32> to vector<2048x1xf32>
    %sub3A = vector.broadcast %broadcast_in_dim3A : vector<2048x1xf32> to vector<2048x64xf32>
    %sub3A_7 = arith.subf %dot_general3A_5, %sub3A : vector<2048x64xf32>
    %exp3A = math.exp %sub3A_7 : vector<2048x64xf32>
    %reduce_sum3A = arith.constant dense<0.000000e+00> : vector<2048xf32>
    %reduce_sum3A_8 = vector.multi_reduction <add>, %exp3A, %reduce_sum3A [1] : vector<2048x64xf32> to vector<2048xf32>
    %broadcast_in_dim3A_9 = vector.shape_cast %reduce_sum3A_8 : vector<2048xf32> to vector<2048x1xf32>
    %div3A = vector.broadcast %broadcast_in_dim3A_9 : vector<2048x1xf32> to vector<2048x64xf32>
    %div3A_10 = arith.divf %exp3A, %div3A : vector<2048x64xf32>
    %iota3A = tpu.iota {dimensions = array<i32: 1>} : vector<2048x64xi32>
    %reduce_max3A_11 = arith.constant dense<0xFF800000> : vector<2048xf32>
    %reduce_max3A_12 = vector.multi_reduction <maximumf>, %div3A_10, %reduce_max3A_11 [1] : vector<2048x64xf32> to vector<2048xf32>
    %broadcast_in_dim3A_13 = vector.shape_cast %reduce_max3A_12 : vector<2048xf32> to vector<2048x1xf32>
    %eq3A = vector.broadcast %broadcast_in_dim3A_13 : vector<2048x1xf32> to vector<2048x64xf32>
    %eq3A_14 = arith.cmpf oeq, %div3A_10, %eq3A : vector<2048x64xf32>
    %jit3A = arith.constant 64 : i32
    %broadcast_in_dim3A_15 = vector.broadcast %jit3A : i32 to vector<2048x64xi32>
    %select_n3A = arith.select %eq3A_14, %iota3A, %broadcast_in_dim3A_15 : vector<2048x64xi1>, vector<2048x64xi32>
    %reduce_min3A = arith.constant dense<2147483647> : vector<2048xi32>
    %reduce_min3A_16 = vector.multi_reduction <minsi>, %select_n3A, %reduce_min3A [1] : vector<2048x64xi32> to vector<2048xi32>
    %broadcast_in_dim3A_17 = vector.shape_cast %reduce_min3A_16 : vector<2048xi32> to vector<2048x1xi32>
    %eq3A_18 = vector.broadcast %broadcast_in_dim3A_17 : vector<2048x1xi32> to vector<2048x64xi32>
    %eq3A_19 = arith.cmpi eq, %iota3A, %eq3A_18 : vector<2048x64xi32>
    %jit3A_20 = arith.constant -1.000000e+00 : f32
    %broadcast_in_dim3A_21 = vector.broadcast %jit3A_20 : f32 to vector<2048x64xf32>
    %select_n3A_22 = arith.select %eq3A_19, %broadcast_in_dim3A_21, %div3A_10 : vector<2048x64xi1>, vector<2048x64xf32>
    %reduce_max3A_23 = arith.constant dense<0xFF800000> : vector<2048xf32>
    %reduce_max3A_24 = vector.multi_reduction <maximumf>, %select_n3A_22, %reduce_max3A_23 [1] : vector<2048x64xf32> to vector<2048xf32>
    %broadcast_in_dim3A_25 = vector.shape_cast %reduce_max3A_24 : vector<2048xf32> to vector<2048x1xf32>
    %eq3A_26 = vector.broadcast %broadcast_in_dim3A_25 : vector<2048x1xf32> to vector<2048x64xf32>
    %eq3A_27 = arith.cmpf oeq, %select_n3A_22, %eq3A_26 : vector<2048x64xf32>
    %jit3A_28 = arith.constant 64 : i32
    %broadcast_in_dim3A_29 = vector.broadcast %jit3A_28 : i32 to vector<2048x64xi32>
    %select_n3A_30 = arith.select %eq3A_27, %iota3A, %broadcast_in_dim3A_29 : vector<2048x64xi1>, vector<2048x64xi32>
    %reduce_min3A_31 = arith.constant dense<2147483647> : vector<2048xi32>
    %reduce_min3A_32 = vector.multi_reduction <minsi>, %select_n3A_30, %reduce_min3A_31 [1] : vector<2048x64xi32> to vector<2048xi32>
    %broadcast_in_dim3A_33 = vector.shape_cast %reduce_min3A_32 : vector<2048xi32> to vector<2048x1xi32>
    %eq3A_34 = vector.broadcast %broadcast_in_dim3A_17 : vector<2048x1xi32> to vector<2048x64xi32>
    %eq3A_35 = arith.cmpi eq, %iota3A, %eq3A_34 : vector<2048x64xi32>
    %convert_element_type3A = arith.extui %eq3A_35 : vector<2048x64xi1> to vector<2048x64xi32>
    %convert_element_type3A_36 = arith.sitofp %convert_element_type3A : vector<2048x64xi32> to vector<2048x64xf32>
    %eq3A_37 = vector.broadcast %broadcast_in_dim3A_33 : vector<2048x1xi32> to vector<2048x64xi32>
    %eq3A_38 = arith.cmpi eq, %iota3A, %eq3A_37 : vector<2048x64xi32>
    %convert_element_type3A_39 = arith.extui %eq3A_38 : vector<2048x64xi1> to vector<2048x64xi32>
    %convert_element_type3A_40 = arith.sitofp %convert_element_type3A_39 : vector<2048x64xi32> to vector<2048x64xf32>
    %iota3A_41 = tpu.iota {dimensions = array<i32: 0>} : vector<2048x2048xi32>
    %iota3A_42 = tpu.iota {dimensions = array<i32: 1>} : vector<2048x2048xi32>
    %ge3A = arith.cmpi sge, %iota3A_41, %iota3A_42 : vector<2048x2048xi32>
    %convert_element_type3A_43 = arith.extui %ge3A : vector<2048x2048xi1> to vector<2048x2048xi32>
    %convert_element_type3A_44 = arith.sitofp %convert_element_type3A_43 : vector<2048x2048xi32> to vector<2048x2048xf32>
    %dot_general3A_45 = arith.constant dense<0.000000e+00> : vector<2048x64xf32>
    %dot_general3A_46 = tpu.matmul %convert_element_type3A_44, %convert_element_type3A_36, %dot_general3A_45 {dimension_numbers = #tpu.dot_dimension_numbers<[1], [0], [0], [1], [0, 0, 1, 1], [], []>, transpose_lhs_hint = false} : vector<2048x2048xf32>, vector<2048x64xf32>, vector<2048x64xf32> -> vector<2048x64xf32>
    %reduce_sum3A_47 = arith.constant dense<0.000000e+00> : vector<64xf32>
    %reduce_sum3A_48 = vector.multi_reduction <add>, %convert_element_type3A_36, %reduce_sum3A_47 [0] : vector<2048x64xf32> to vector<64xf32>
    %broadcast_in_dim3A_49 = vector.shape_cast %reduce_sum3A_48 : vector<64xf32> to vector<1x64xf32>
    %dot_general3A_50 = arith.constant dense<0.000000e+00> : vector<2048x64xf32>
    %dot_general3A_51 = tpu.matmul %convert_element_type3A_44, %convert_element_type3A_40, %dot_general3A_50 {dimension_numbers = #tpu.dot_dimension_numbers<[1], [0], [0], [1], [0, 0, 1, 1], [], []>, transpose_lhs_hint = false} : vector<2048x2048xf32>, vector<2048x64xf32>, vector<2048x64xf32> -> vector<2048x64xf32>
    %add3A = vector.broadcast %broadcast_in_dim3A_49 : vector<1x64xf32> to vector<2048x64xf32>
    %add3A_52 = arith.addf %dot_general3A_51, %add3A : vector<2048x64xf32>
    %mul3A = arith.mulf %dot_general3A_46, %convert_element_type3A_36 : vector<2048x64xf32>
    %reduce_sum3A_53 = arith.constant dense<0.000000e+00> : vector<2048xf32>
    %reduce_sum3A_54 = vector.multi_reduction <add>, %mul3A, %reduce_sum3A_53 [1] : vector<2048x64xf32> to vector<2048xf32>
    %broadcast_in_dim3A_55 = vector.shape_cast %reduce_sum3A_54 : vector<2048xf32> to vector<2048x1xf32>
    %sub3A_56 = arith.constant 1.000000e+00 : f32
    %sub3A_57 = vector.broadcast %sub3A_56 : f32 to vector<2048x1xf32>
    %sub3A_58 = arith.subf %broadcast_in_dim3A_55, %sub3A_57 : vector<2048x1xf32>
    %mul3A_59 = arith.mulf %add3A_52, %convert_element_type3A_40 : vector<2048x64xf32>
    %reduce_sum3A_60 = arith.constant dense<0.000000e+00> : vector<2048xf32>
    %reduce_sum3A_61 = vector.multi_reduction <add>, %mul3A_59, %reduce_sum3A_60 [1] : vector<2048x64xf32> to vector<2048xf32>
    %broadcast_in_dim3A_62 = vector.shape_cast %reduce_sum3A_61 : vector<2048xf32> to vector<2048x1xf32>
    %sub3A_63 = arith.constant 1.000000e+00 : f32
    %sub3A_64 = vector.broadcast %sub3A_63 : f32 to vector<2048x1xf32>
    %sub3A_65 = arith.subf %broadcast_in_dim3A_62, %sub3A_64 : vector<2048x1xf32>
    %lt3A = arith.constant 9.600000e+01 : f32
    %lt3A_66 = vector.broadcast %lt3A : f32 to vector<2048x1xf32>
    %lt3A_67 = arith.cmpf olt, %sub3A_58, %lt3A_66 : vector<2048x1xf32>
    %convert_element_type3A_68 = arith.extui %lt3A_67 : vector<2048x1xi1> to vector<2048x1xi32>
    %convert_element_type3A_69 = arith.sitofp %convert_element_type3A_68 : vector<2048x1xi32> to vector<2048x1xf32>
    %lt3A_70 = arith.constant 9.600000e+01 : f32
    %lt3A_71 = vector.broadcast %lt3A_70 : f32 to vector<2048x1xf32>
    %lt3A_72 = arith.cmpf olt, %sub3A_65, %lt3A_71 : vector<2048x1xf32>
    %convert_element_type3A_73 = arith.extui %lt3A_72 : vector<2048x1xi1> to vector<2048x1xi32>
    %convert_element_type3A_74 = arith.sitofp %convert_element_type3A_73 : vector<2048x1xi32> to vector<2048x1xf32>
    %jit3A_75 = arith.constant 0.000000e+00 : f32
    %jit3A_76 = arith.constant 9.500000e+01 : f32
    %max3A = vector.broadcast %jit3A_75 : f32 to vector<2048x1xf32>
    %max3A_77 = arith.maximumf %max3A, %sub3A_58 : vector<2048x1xf32>
    %min3A = vector.broadcast %jit3A_76 : f32 to vector<2048x1xf32>
    %min3A_78 = arith.minimumf %min3A, %max3A_77 : vector<2048x1xf32>
    %convert_element_type3A_79 = arith.fptosi %min3A_78 : vector<2048x1xf32> to vector<2048x1xi32>
    %jit3A_80 = arith.constant 0.000000e+00 : f32
    %jit3A_81 = arith.constant 9.500000e+01 : f32
    %max3A_82 = vector.broadcast %jit3A_80 : f32 to vector<2048x1xf32>
    %max3A_83 = arith.maximumf %max3A_82, %sub3A_65 : vector<2048x1xf32>
    %min3A_84 = vector.broadcast %jit3A_81 : f32 to vector<2048x1xf32>
    %min3A_85 = arith.minimumf %min3A_84, %max3A_83 : vector<2048x1xf32>
    %convert_element_type3A_86 = arith.fptosi %min3A_85 : vector<2048x1xf32> to vector<2048x1xi32>
    %mul3A_87 = arith.constant 96 : i32
    %mul3A_88 = vector.broadcast %mul3A_87 : i32 to vector<2048x1xi32>
    %mul3A_89 = arith.muli %broadcast_in_dim3A_17, %mul3A_88 : vector<2048x1xi32>
    %add3A_90 = arith.addi %mul3A_89, %convert_element_type3A_79 : vector<2048x1xi32>
    %mul3A_91 = arith.constant 96 : i32
    %mul3A_92 = vector.broadcast %mul3A_91 : i32 to vector<2048x1xi32>
    %mul3A_93 = arith.muli %broadcast_in_dim3A_33, %mul3A_92 : vector<2048x1xi32>
    %add3A_94 = arith.addi %mul3A_93, %convert_element_type3A_86 : vector<2048x1xi32>
    %iota3A_95 = tpu.iota {dimensions = array<i32: 0>} : vector<2048x1xi32>
    %jit3A_96 = arith.constant 128 : i32
    %div3A_97 = vector.broadcast %jit3A_96 : i32 to vector<2048x1xi32>
    %div3A_98 = arith.divsi %iota3A_95, %div3A_97 : vector<2048x1xi32>
    %sign3A = arith.constant 0 : i32
    %sign3A_99 = vector.broadcast %sign3A : i32 to vector<2048x1xi32>
    %sign3A_100 = arith.cmpi sgt, %iota3A_95, %sign3A_99 : vector<2048x1xi32>
    %sign3A_101 = arith.extui %sign3A_100 : vector<2048x1xi1> to vector<2048x1xi32>
    %sign3A_102 = arith.constant 0 : i32
    %sign3A_103 = vector.broadcast %sign3A_102 : i32 to vector<2048x1xi32>
    %sign3A_104 = arith.cmpi slt, %iota3A_95, %sign3A_103 : vector<2048x1xi32>
    %sign3A_105 = arith.extui %sign3A_104 : vector<2048x1xi1> to vector<2048x1xi32>
    %sign3A_106 = arith.subi %sign3A_101, %sign3A_105 : vector<2048x1xi32>
    %sign3A_107 = arith.constant 0 : i32
    %sign3A_108 = arith.cmpi sgt, %jit3A_96, %sign3A_107 : i32
    %sign3A_109 = arith.extui %sign3A_108 : i1 to i32
    %sign3A_110 = arith.constant 0 : i32
    %sign3A_111 = arith.cmpi slt, %jit3A_96, %sign3A_110 : i32
    %sign3A_112 = arith.extui %sign3A_111 : i1 to i32
    %sign3A_113 = arith.subi %sign3A_109, %sign3A_112 : i32
    %ne3A = vector.broadcast %sign3A_113 : i32 to vector<2048x1xi32>
    %ne3A_114 = arith.cmpi ne, %sign3A_106, %ne3A : vector<2048x1xi32>
    %rem3A = vector.broadcast %jit3A_96 : i32 to vector<2048x1xi32>
    %rem3A_115 = arith.remsi %iota3A_95, %rem3A : vector<2048x1xi32>
    %ne3A_116 = arith.constant 0 : i32
    %ne3A_117 = vector.broadcast %ne3A_116 : i32 to vector<2048x1xi32>
    %ne3A_118 = arith.cmpi ne, %rem3A_115, %ne3A_117 : vector<2048x1xi32>
    %and3A = arith.andi %ne3A_114, %ne3A_118 : vector<2048x1xi1>
    %sub3A_119 = arith.constant 1 : i32
    %sub3A_120 = vector.broadcast %sub3A_119 : i32 to vector<2048x1xi32>
    %sub3A_121 = arith.subi %div3A_98, %sub3A_120 : vector<2048x1xi32>
    %select_n3A_122 = arith.select %and3A, %sub3A_121, %div3A_98 : vector<2048x1xi1>, vector<2048x1xi32>
    %rem3A_123 = arith.constant 8 : i32
    %rem3A_124 = vector.broadcast %rem3A_123 : i32 to vector<2048x1xi32>
    %rem3A_125 = arith.remsi %select_n3A_122, %rem3A_124 : vector<2048x1xi32>
    %add3A_126 = arith.constant 6144 : i32
    %add3A_127 = vector.broadcast %add3A_126 : i32 to vector<2048x1xi32>
    %add3A_128 = arith.addi %add3A_127, %rem3A_125 : vector<2048x1xi32>
    %swap3A = arith.constant 0 : index
    %swap3A_129 = arith.constant 0 : index
    %swap3A_130 = vector.load %arg2[%swap3A, %swap3A_129] : memref<2048x1xf32, #tpu.memory_space<vmem>>, vector<2048x1xf32>
    tpu.vector_store %arg2[%swap3A, %swap3A_129], %broadcast_in_dim3A_13 {strides = array<i32>} : memref<2048x1xf32, #tpu.memory_space<vmem>>, vector<2048x1xf32>,
    %swap3A_131 = arith.constant 0 : index
    %swap3A_132 = arith.constant 0 : index
    %swap3A_133 = vector.load %arg3[%swap3A_131, %swap3A_132] : memref<2048x1xf32, #tpu.memory_space<vmem>>, vector<2048x1xf32>
    tpu.vector_store %arg3[%swap3A_131, %swap3A_132], %broadcast_in_dim3A_25 {strides = array<i32>} : memref<2048x1xf32, #tpu.memory_space<vmem>>, vector<2048x1xf32>,
    %swap3A_134 = arith.constant 0 : index
    %swap3A_135 = arith.constant 0 : index
    %swap3A_136 = vector.load %arg8[%swap3A_134, %swap3A_135] : memref<2048x1xf32, #tpu.memory_space<vmem>>, vector<2048x1xf32>
    tpu.vector_store %arg8[%swap3A_134, %swap3A_135], %convert_element_type3A_69 {strides = array<i32>} : memref<2048x1xf32, #tpu.memory_space<vmem>>, vector<2048x1xf32>,
    %swap3A_137 = arith.constant 0 : index
    %swap3A_138 = arith.constant 0 : index
    %swap3A_139 = vector.load %arg9[%swap3A_137, %swap3A_138] : memref<2048x1xf32, #tpu.memory_space<vmem>>, vector<2048x1xf32>
    tpu.vector_store %arg9[%swap3A_137, %swap3A_138], %convert_element_type3A_74 {strides = array<i32>} : memref<2048x1xf32, #tpu.memory_space<vmem>>, vector<2048x1xf32>,
    %gt3A = arith.constant 0.000000e+00 : f32
    %gt3A_140 = vector.broadcast %gt3A : f32 to vector<2048x1xf32>
    %gt3A_141 = arith.cmpf ogt, %convert_element_type3A_69, %gt3A_140 : vector<2048x1xf32>
    %jit3A_142 = arith.constant 0 : i32
    %broadcast_in_dim3A_143 = vector.broadcast %jit3A_142 : i32 to vector<2048x1xi32>
    %select_n3A_144 = arith.select %gt3A_141, %add3A_90, %broadcast_in_dim3A_143 : vector<2048x1xi1>, vector<2048x1xi32>
    %swap3A_145 = arith.constant 0 : index
    %swap3A_146 = arith.constant 0 : index
    %swap3A_147 = vector.load %arg4[%swap3A_145, %swap3A_146] : memref<2048x1xi32, #tpu.memory_space<vmem>>, vector<2048x1xi32>
    tpu.vector_store %arg4[%swap3A_145, %swap3A_146], %select_n3A_144 {strides = array<i32>} : memref<2048x1xi32, #tpu.memory_space<vmem>>, vector<2048x1xi32>,
    %gt3A_148 = arith.constant 0.000000e+00 : f32
    %gt3A_149 = vector.broadcast %gt3A_148 : f32 to vector<2048x1xf32>
    %gt3A_150 = arith.cmpf ogt, %convert_element_type3A_74, %gt3A_149 : vector<2048x1xf32>
    %jit3A_151 = arith.constant 0 : i32
    %broadcast_in_dim3A_152 = vector.broadcast %jit3A_151 : i32 to vector<2048x1xi32>
    %select_n3A_153 = arith.select %gt3A_150, %add3A_94, %broadcast_in_dim3A_152 : vector<2048x1xi1>, vector<2048x1xi32>
    %swap3A_154 = arith.constant 0 : index
    %swap3A_155 = arith.constant 0 : index
    %swap3A_156 = vector.load %arg5[%swap3A_154, %swap3A_155] : memref<2048x1xi32, #tpu.memory_space<vmem>>, vector<2048x1xi32>
    tpu.vector_store %arg5[%swap3A_154, %swap3A_155], %select_n3A_153 {strides = array<i32>} : memref<2048x1xi32, #tpu.memory_space<vmem>>, vector<2048x1xi32>,
    %gt3A_157 = arith.constant 0.000000e+00 : f32
    %gt3A_158 = vector.broadcast %gt3A_157 : f32 to vector<2048x1xf32>
    %gt3A_159 = arith.cmpf ogt, %convert_element_type3A_69, %gt3A_158 : vector<2048x1xf32>
    %select_n3A_160 = arith.select %gt3A_159, %add3A_90, %add3A_128 : vector<2048x1xi1>, vector<2048x1xi32>
    %swap3A_161 = arith.constant 0 : index
    %swap3A_162 = arith.constant 0 : index
    %swap3A_163 = vector.load %arg6[%swap3A_161, %swap3A_162] : memref<2048x1xi32, #tpu.memory_space<vmem>>, vector<2048x1xi32>
    tpu.vector_store %arg6[%swap3A_161, %swap3A_162], %select_n3A_160 {strides = array<i32>} : memref<2048x1xi32, #tpu.memory_space<vmem>>, vector<2048x1xi32>,
    %gt3A_164 = arith.constant 0.000000e+00 : f32
    %gt3A_165 = vector.broadcast %gt3A_164 : f32 to vector<2048x1xf32>
    %gt3A_166 = arith.cmpf ogt, %convert_element_type3A_74, %gt3A_165 : vector<2048x1xf32>
    %select_n3A_167 = arith.select %gt3A_166, %add3A_94, %add3A_128 : vector<2048x1xi1>, vector<2048x1xi32>
    %swap3A_168 = arith.constant 0 : index
    %swap3A_169 = arith.constant 0 : index
    %swap3A_170 = vector.load %arg7[%swap3A_168, %swap3A_169] : memref<2048x1xi32, #tpu.memory_space<vmem>>, vector<2048x1xi32>
    tpu.vector_store %arg7[%swap3A_168, %swap3A_169], %select_n3A_167 {strides = array<i32>} : memref<2048x1xi32, #tpu.memory_space<vmem>>, vector<2048x1xi32>,
    %reduce_sum3A_171 = arith.constant dense<0.000000e+00> : vector<64xf32>
    %reduce_sum3A_172 = vector.multi_reduction <add>, %div3A_10, %reduce_sum3A_171 [0] : vector<2048x64xf32> to vector<64xf32>
    %broadcast_in_dim3A_173 = vector.shape_cast %reduce_sum3A_172 : vector<64xf32> to vector<1x64xf32>
    %mul3A_174 = arith.constant 4.8828125E-4 : f32
    %mul3A_175 = vector.broadcast %mul3A_174 : f32 to vector<1x64xf32>
    %mul3A_176 = arith.mulf %broadcast_in_dim3A_173, %mul3A_175 : vector<1x64xf32>
    %mul3A_177 = vector.broadcast %convert_element_type3A_69 : vector<2048x1xf32> to vector<2048x64xf32>
    %mul3A_178 = arith.mulf %convert_element_type3A_36, %mul3A_177 : vector<2048x64xf32>
    %reduce_sum3A_179 = arith.constant dense<0.000000e+00> : vector<64xf32>
    %reduce_sum3A_180 = vector.multi_reduction <add>, %mul3A_178, %reduce_sum3A_179 [0] : vector<2048x64xf32> to vector<64xf32>
    %broadcast_in_dim3A_181 = vector.shape_cast %reduce_sum3A_180 : vector<64xf32> to vector<1x64xf32>
    %mul3A_182 = vector.broadcast %convert_element_type3A_74 : vector<2048x1xf32> to vector<2048x64xf32>
    %mul3A_183 = arith.mulf %convert_element_type3A_40, %mul3A_182 : vector<2048x64xf32>
    %reduce_sum3A_184 = arith.constant dense<0.000000e+00> : vector<64xf32>
    %reduce_sum3A_185 = vector.multi_reduction <add>, %mul3A_183, %reduce_sum3A_184 [0] : vector<2048x64xf32> to vector<64xf32>
    %broadcast_in_dim3A_186 = vector.shape_cast %reduce_sum3A_185 : vector<64xf32> to vector<1x64xf32>
    %add3A_187 = arith.addf %broadcast_in_dim3A_181, %broadcast_in_dim3A_186 : vector<1x64xf32>
    %mul3A_188 = arith.constant 2.44140625E-4 : f32
    %mul3A_189 = vector.broadcast %mul3A_188 : f32 to vector<1x64xf32>
    %mul3A_190 = arith.mulf %add3A_187, %mul3A_189 : vector<1x64xf32>
    %mul3A_191 = arith.mulf %mul3A_176, %mul3A_190 : vector<1x64xf32>
    %reduce_sum3A_192 = vector.shape_cast %mul3A_191 : vector<1x64xf32> to vector<1x1x64xf32>
    %reduce_sum3A_193 = arith.constant dense<0.000000e+00> : vector<1xf32>
    %reduce_sum3A_194 = vector.multi_reduction <add>, %reduce_sum3A_192, %reduce_sum3A_193 [1, 2] : vector<1x1x64xf32> to vector<1xf32>
    %reduce_sum3A_195 = vector.shape_cast %reduce_sum3A_194 : vector<1xf32> to vector<1x1x1xf32>
    %reduce_sum3A_196 = vector.extract %reduce_sum3A_195[0, 0, 0] : f32 from vector<1x1x1xf32>
    %mul3A_197 = arith.constant 6.400000e+01 : f32
    %mul3A_198 = arith.mulf %mul3A_197, %reduce_sum3A_196 : f32
    %reshape3A = vector.broadcast %mul3A_198 : f32 to vector<1x1xf32>
    %swap3A_199 = arith.constant 0 : index
    %swap3A_200 = arith.constant 0 : index
    %swap3A_201 = vector.load %arg10[%swap3A_199, %swap3A_200] : memref<1x1xf32, #tpu.memory_space<vmem>>, vector<1x1xf32>
    tpu.vector_store %arg10[%swap3A_199, %swap3A_200], %reshape3A {strides = array<i32>} : memref<1x1xf32, #tpu.memory_space<vmem>>, vector<1x1xf32>,
    return
  }
}

module attributes {stable_mosaic.version = 14 : i64} {
  func.func @_combine_body(%arg0: i32, %arg1: memref<256x768xf32, #tpu.memory_space<vmem>>, %arg2: memref<256x768xf32, #tpu.memory_space<vmem>>, %arg3: memref<256x1xf32, #tpu.memory_space<vmem>>, %arg4: memref<256x1xf32, #tpu.memory_space<vmem>>, %arg5: memref<256x1xf32, #tpu.memory_space<vmem>>, %arg6: memref<256x1xf32, #tpu.memory_space<vmem>>, %arg7: memref<256x768xf32, #tpu.memory_space<vmem>>) attributes {dimension_semantics = [#tpu.dimension_semantics<arbitrary>], iteration_bounds = array<i64: 8>, scalar_prefetch = 0 : i64, scratch_operands = 0 : i64, tpu.core_type = #tpu.core_type<tc>, window_params = [{transform_indices = @transform_0, window_bounds = array<i64: 256, 768>}, {transform_indices = @transform_1, window_bounds = array<i64: 256, 768>}, {transform_indices = @transform_2, window_bounds = array<i64: 256, 1>}, {transform_indices = @transform_3, window_bounds = array<i64: 256, 1>}, {transform_indices = @transform_4, window_bounds = array<i64: 256, 1>}, {transform_indices = @transform_5, window_bounds = array<i64: 256, 1>}, {transform_indices = @transform_6, window_bounds = array<i64: 256, 768>}]} {
    %broadcast_in_dim3A = arith.constant 0.000000e+00 : f32
    %broadcast_in_dim3A_0 = vector.broadcast %broadcast_in_dim3A : f32 to vector<256x768xf32>
    %get3A = arith.constant 0 : index
    %get3A_1 = arith.constant 0 : index
    %get3A_2 = vector.load %arg5[%get3A, %get3A_1] : memref<256x1xf32, #tpu.memory_space<vmem>>, vector<256x1xf32>
    %gt3A = arith.constant 0.000000e+00 : f32
    %gt3A_3 = vector.broadcast %gt3A : f32 to vector<256x1xf32>
    %gt3A_4 = arith.cmpf ogt, %get3A_2, %gt3A_3 : vector<256x1xf32>
    %broadcast_in_dim3A_5 = vector.shape_cast %gt3A_4 : vector<256x1xi1> to vector<256x1xi1>
    %broadcast_in_dim3A_6 = vector.broadcast %broadcast_in_dim3A_5 : vector<256x1xi1> to vector<256x768xi1>
    %get3A_7 = arith.constant 0 : index
    %get3A_8 = arith.constant 0 : index
    %get3A_9 = vector.load %arg3[%get3A_7, %get3A_8] : memref<256x1xf32, #tpu.memory_space<vmem>>, vector<256x1xf32>
    %get3A_10 = arith.constant 0 : index
    %get3A_11 = arith.constant 0 : index
    %get3A_12 = vector.load %arg1[%get3A_10, %get3A_11] : memref<256x768xf32, #tpu.memory_space<vmem>>, vector<256x768xf32>
    %mul3A = vector.broadcast %get3A_9 : vector<256x1xf32> to vector<256x768xf32>
    %mul3A_13 = arith.mulf %mul3A, %get3A_12 : vector<256x768xf32>
    %select_n3A = arith.select %broadcast_in_dim3A_6, %mul3A_13, %broadcast_in_dim3A_0 : vector<256x768xi1>, vector<256x768xf32>
    %get3A_14 = arith.constant 0 : index
    %get3A_15 = arith.constant 0 : index
    %get3A_16 = vector.load %arg6[%get3A_14, %get3A_15] : memref<256x1xf32, #tpu.memory_space<vmem>>, vector<256x1xf32>
    %gt3A_17 = arith.constant 0.000000e+00 : f32
    %gt3A_18 = vector.broadcast %gt3A_17 : f32 to vector<256x1xf32>
    %gt3A_19 = arith.cmpf ogt, %get3A_16, %gt3A_18 : vector<256x1xf32>
    %broadcast_in_dim3A_20 = vector.shape_cast %gt3A_19 : vector<256x1xi1> to vector<256x1xi1>
    %broadcast_in_dim3A_21 = vector.broadcast %broadcast_in_dim3A_20 : vector<256x1xi1> to vector<256x768xi1>
    %get3A_22 = arith.constant 0 : index
    %get3A_23 = arith.constant 0 : index
    %get3A_24 = vector.load %arg4[%get3A_22, %get3A_23] : memref<256x1xf32, #tpu.memory_space<vmem>>, vector<256x1xf32>
    %get3A_25 = arith.constant 0 : index
    %get3A_26 = arith.constant 0 : index
    %get3A_27 = vector.load %arg2[%get3A_25, %get3A_26] : memref<256x768xf32, #tpu.memory_space<vmem>>, vector<256x768xf32>
    %mul3A_28 = vector.broadcast %get3A_24 : vector<256x1xf32> to vector<256x768xf32>
    %mul3A_29 = arith.mulf %mul3A_28, %get3A_27 : vector<256x768xf32>
    %select_n3A_30 = arith.select %broadcast_in_dim3A_21, %mul3A_29, %broadcast_in_dim3A_0 : vector<256x768xi1>, vector<256x768xf32>
    %add3A = arith.addf %select_n3A, %select_n3A_30 : vector<256x768xf32>
    %swap3A = arith.constant 0 : index
    %swap3A_31 = arith.constant 0 : index
    %swap3A_32 = vector.load %arg7[%swap3A, %swap3A_31] : memref<256x768xf32, #tpu.memory_space<vmem>>, vector<256x768xf32>
    tpu.vector_store %arg7[%swap3A, %swap3A_31], %add3A {strides = array<i32>} : memref<256x768xf32, #tpu.memory_space<vmem>>, vector<256x768xf32>,
    return
  }
  func.func @transform_0(%arg0: i32) -> (i32, i32) {
    %c0_i32 = arith.constant 0 : i32
    %c0_i32_0 = arith.constant 0 : i32
    return %arg0, %c0_i32 : i32, i32
  }
  func.func @transform_1(%arg0: i32) -> (i32, i32) {
    %add3A = arith.constant 8 : i32
    %add3A_0 = arith.addi %arg0, %add3A : i32
    %c0_i32 = arith.constant 0 : i32
    %c0_i32_1 = arith.constant 0 : i32
    return %add3A_0, %c0_i32 : i32, i32
  }
  func.func @transform_2(%arg0: i32) -> (i32, i32) {
    %c0_i32 = arith.constant 0 : i32
    %c0_i32_0 = arith.constant 0 : i32
    return %arg0, %c0_i32 : i32, i32
  }
  func.func @transform_3(%arg0: i32) -> (i32, i32) {
    %c0_i32 = arith.constant 0 : i32
    %c0_i32_0 = arith.constant 0 : i32
    return %arg0, %c0_i32 : i32, i32
  }
  func.func @transform_4(%arg0: i32) -> (i32, i32) {
    %c0_i32 = arith.constant 0 : i32
    %c0_i32_0 = arith.constant 0 : i32
    return %arg0, %c0_i32 : i32, i32
  }
  func.func @transform_5(%arg0: i32) -> (i32, i32) {
    %c0_i32 = arith.constant 0 : i32
    %c0_i32_0 = arith.constant 0 : i32
    return %arg0, %c0_i32 : i32, i32
  }
  func.func @transform_6(%arg0: i32) -> (i32, i32) {
    %c0_i32 = arith.constant 0 : i32
    %c0_i32_0 = arith.constant 0 : i32
    return %arg0, %c0_i32 : i32, i32
  }
}

module attributes {stable_mosaic.version = 14 : i64} {
  func.func @_ffn_body(%arg0: i32, %arg1: memref<96x768xf32, #tpu.memory_space<vmem>>, %arg2: memref<1x768x768xf32, #tpu.memory_space<vmem>>, %arg3: memref<1x1x768xf32, #tpu.memory_space<vmem>>, %arg4: memref<1x768x768xf32, #tpu.memory_space<vmem>>, %arg5: memref<1x1x768xf32, #tpu.memory_space<vmem>>, %arg6: memref<96x768xf32, #tpu.memory_space<vmem>>) attributes {dimension_semantics = [#tpu.dimension_semantics<arbitrary>], iteration_bounds = array<i64: 64>, scalar_prefetch = 0 : i64, scratch_operands = 0 : i64, tpu.core_type = #tpu.core_type<tc>, window_params = [{transform_indices = @transform_0, window_bounds = array<i64: 96, 768>}, {transform_indices = @transform_1, window_bounds = array<i64: 1, 768, 768>}, {transform_indices = @transform_2, window_bounds = array<i64: 1, 1, 768>}, {transform_indices = @transform_3, window_bounds = array<i64: 1, 768, 768>}, {transform_indices = @transform_4, window_bounds = array<i64: 1, 1, 768>}, {transform_indices = @transform_5, window_bounds = array<i64: 96, 768>}]} {
    %get3A = arith.constant 0 : index
    %get3A_0 = arith.constant 0 : index
    %get3A_1 = vector.load %arg1[%get3A, %get3A_0] : memref<96x768xf32, #tpu.memory_space<vmem>>, vector<96x768xf32>
    %get3A_2 = arith.constant 0 : index
    %get3A_3 = arith.constant 0 : index
    %get3A_4 = arith.constant 0 : index
    %get3A_5 = vector.load %arg2[%get3A_2, %get3A_3, %get3A_4] : memref<1x768x768xf32, #tpu.memory_space<vmem>>, vector<1x768x768xf32>
    %get3A_6 = vector.shape_cast %get3A_5 : vector<1x768x768xf32> to vector<768x768xf32>
    %dot_general3A = arith.constant dense<0.000000e+00> : vector<96x768xf32>
    %dot_general3A_7 = tpu.matmul %get3A_1, %get3A_6, %dot_general3A {dimension_numbers = #tpu.dot_dimension_numbers<[1], [0], [0], [1], [0, 0, 1, 1], [], []>, transpose_lhs_hint = false} : vector<96x768xf32>, vector<768x768xf32>, vector<96x768xf32> -> vector<96x768xf32>
    %get3A_8 = arith.constant 0 : index
    %get3A_9 = arith.constant 0 : index
    %get3A_10 = arith.constant 0 : index
    %get3A_11 = vector.load %arg3[%get3A_8, %get3A_9, %get3A_10] : memref<1x1x768xf32, #tpu.memory_space<vmem>>, vector<1x1x768xf32>
    %get3A_12 = vector.shape_cast %get3A_11 : vector<1x1x768xf32> to vector<1x768xf32>
    %add3A = vector.broadcast %get3A_12 : vector<1x768xf32> to vector<96x768xf32>
    %add3A_13 = arith.addf %dot_general3A_7, %add3A : vector<96x768xf32>
    %max3A = arith.constant 0.000000e+00 : f32
    %max3A_14 = vector.broadcast %max3A : f32 to vector<96x768xf32>
    %max3A_15 = arith.maximumf %add3A_13, %max3A_14 : vector<96x768xf32>
    %get3A_16 = arith.constant 0 : index
    %get3A_17 = arith.constant 0 : index
    %get3A_18 = arith.constant 0 : index
    %get3A_19 = vector.load %arg4[%get3A_16, %get3A_17, %get3A_18] : memref<1x768x768xf32, #tpu.memory_space<vmem>>, vector<1x768x768xf32>
    %get3A_20 = vector.shape_cast %get3A_19 : vector<1x768x768xf32> to vector<768x768xf32>
    %dot_general3A_21 = arith.constant dense<0.000000e+00> : vector<96x768xf32>
    %dot_general3A_22 = tpu.matmul %max3A_15, %get3A_20, %dot_general3A_21 {dimension_numbers = #tpu.dot_dimension_numbers<[1], [0], [0], [1], [0, 0, 1, 1], [], []>, transpose_lhs_hint = false} : vector<96x768xf32>, vector<768x768xf32>, vector<96x768xf32> -> vector<96x768xf32>
    %get3A_23 = arith.constant 0 : index
    %get3A_24 = arith.constant 0 : index
    %get3A_25 = arith.constant 0 : index
    %get3A_26 = vector.load %arg5[%get3A_23, %get3A_24, %get3A_25] : memref<1x1x768xf32, #tpu.memory_space<vmem>>, vector<1x1x768xf32>
    %get3A_27 = vector.shape_cast %get3A_26 : vector<1x1x768xf32> to vector<1x768xf32>
    %add3A_28 = vector.broadcast %get3A_27 : vector<1x768xf32> to vector<96x768xf32>
    %add3A_29 = arith.addf %dot_general3A_22, %add3A_28 : vector<96x768xf32>
    %swap3A = arith.constant 0 : index
    %swap3A_30 = arith.constant 0 : index
    %swap3A_31 = vector.load %arg6[%swap3A, %swap3A_30] : memref<96x768xf32, #tpu.memory_space<vmem>>, vector<96x768xf32>
    tpu.vector_store %arg6[%swap3A, %swap3A_30], %add3A_29 {strides = array<i32>} : memref<96x768xf32, #tpu.memory_space<vmem>>, vector<96x768xf32>,
    return
  }
  func.func @transform_0(%arg0: i32) -> (i32, i32) {
    %c0_i32 = arith.constant 0 : i32
    %c0_i32_0 = arith.constant 0 : i32
    return %arg0, %c0_i32 : i32, i32
  }
  func.func @transform_1(%arg0: i32) -> (i32, i32, i32) {
    %c0_i32 = arith.constant 0 : i32
    %c0_i32_0 = arith.constant 0 : i32
    %c0_i32_1 = arith.constant 0 : i32
    return %arg0, %c0_i32, %c0_i32_0 : i32, i32, i32
  }
  func.func @transform_2(%arg0: i32) -> (i32, i32, i32) {
    %c0_i32 = arith.constant 0 : i32
    %c0_i32_0 = arith.constant 0 : i32
    %c0_i32_1 = arith.constant 0 : i32
    return %arg0, %c0_i32, %c0_i32_0 : i32, i32, i32
  }
  func.func @transform_3(%arg0: i32) -> (i32, i32, i32) {
    %c0_i32 = arith.constant 0 : i32
    %c0_i32_0 = arith.constant 0 : i32
    %c0_i32_1 = arith.constant 0 : i32
    return %arg0, %c0_i32, %c0_i32_0 : i32, i32, i32
  }
  func.func @transform_4(%arg0: i32) -> (i32, i32, i32) {
    %c0_i32 = arith.constant 0 : i32
    %c0_i32_0 = arith.constant 0 : i32
    %c0_i32_1 = arith.constant 0 : i32
    return %arg0, %c0_i32, %c0_i32_0 : i32, i32, i32
  }
  func.func @transform_5(%arg0: i32) -> (i32, i32) {
    %c0_i32 = arith.constant 0 : i32
    %c0_i32_0 = arith.constant 0 : i32
    return %arg0, %c0_i32 : i32, i32
  }
}

</mosaic_0001>

<sc_bundles>
// kernel: kernel.10.cloned.1.call-start
scs
__scs_entry_jumppad:
0x0: {  	(pc) =	sbr.rel $0x88, $3  }
0x1: {  	(tag) =	ssettag $0x0;
	lr =	simm.s32 $0x1  }
0x2: {  	[smem:$0x3F9B] =	sst lr;
	_ =	strace $0xD0000000  }
0x3: {  	_ = 	snop  }
0x4: {  	_ = 	snop  }
0x5: {  	_ = 	snop  }
0x6: {  	_ = 	snop  }
0x7: {  	_ = 	snop  }
__scs_overlays_trampoline_lowered:
0x8: {  	[smem:$0x3FAA] =	sst s0  }
0x9: {  	[smem:$0x3FAB] =	sst s1  }
0xa: {  	[smem:$0x3FAC] =	sst s2  }
0xb: {  	[smem:$0x3FAD] =	sst s3  }
0xc: {  	[smem:$0x3FAE] =	sst s4  }
0xd: {  	[smem:$0x3FAF] =	sst s5  }
0xe: {  	[smem:$0x3FB0] =	sst s6  }
0xf: {  	[smem:$0x3FB1] =	sst s7  }
0x10: {  	[smem:$0x3FB2] =	sst s8  }
0x11: {  	[smem:$0x3FB3] =	sst s9;
	s0 =	simm.s32 @!p0 $0x0  }
0x12: {  	s1 =	sld [smem:$0x3F99];
	s0 =	simm.s32 @p0 $0x1  }
0x13: {  	[smem:$0x3FB4] =	sst s0;
	s0 =	simm.s32 @!p1 $0x0  }
0x14: {  	s2 =	sld [smem:$0x3F98];
	s0 =	simm.s32 @p1 $0x1  }
0x15: {  	[smem:$0x3FB5] =	sst s0;
	s0 =	simm.s32 @!p2 $0x0  }
0x16: {  	s3 =	sld [smem:$0x3FDB];
	s0 =	simm.s32 @p2 $0x1  }
0x17: {  	s4 =	simm.s32 $0x1BF5;
	[smem:$0x3FB7] =	sst s0  }
0x18: {  	s0 =	sld [smem:$0x3F9A];
	_ =	swait.ge [sflag:s4], $0x0  }
0x19: {  	s7 =	sld [smem:$0x3F9B]  }
0x1a: {  	s8 =	sadd.s32 $0xFFFFE003, lr  }
0x1b: {  	s9 =	sadd.s32 $0xFFFFFEF7, lr;
	s5 =	simm.s32 $0xFFFFFFFF;
	p2 =	slt.u32 s8, $0xFFFFF086  }
0x1c: {  	p1 =	slt.u32 s9, $0xF7A;
	s5 =	simm.s32 @!p2 $0x0  }
0x1d: {  	s5 =	simm.s32 @p1 $0x1;
	p0 =	seq.s32 s7, s2  }
0x1e: {  	s7 =	smul.u32 @!p0 $0xF7A, s2;
	p2 =	seq.s32 @!p0 s5, $0x0  }
0x1f: {  	s9 =	smul.u32 $0xF7A, s1;
	s8 =	simm.s32 @!p0 $0x1BF5;
	p2 =	por !p2, p0  }
0x20: {  	[sflag:s8] =	ssyncset.s32 @!p0 $0xFFFFF086;
	s6 =	sadd.s32 @!p0 s3, s7;
	s7 =	simm.s32 @!p0 $0x108  }
0x21: {  	s3 =	sadd.s32 s3, s9;
	s6 =	sadd.s32 @!p0 $0x88, s6;
	s7 =	simm.s32 @p2 $0x1082  }
0x22: {  	[simem:s7], [sflag:s8] =	dma.local @!p0 [hbm:s6], $0xF7A  }
0x23: {  	s9 =	sor.u32 $0xD0000000, s2;
	s6 =	simm.s32 $0x108;
	_ =	swait.ge @!p0 [sflag:s8], $0x0  }
0x24: {  	s3 =	sadd.s32 $0x88, s3;
	s6 =	simm.s32 @!p1 $0x1082;
	[sflag:s4] =	ssyncset.s32 $0xFFFFF086  }
0x25: {  	[simem:s6], [sflag:s4] =	dma.local [hbm:s3], $0xF7A  }
0x26: {  	[smem:$0x3F9B] =	sst s1;
	(tag) =	ssettag s2;
	_ =	strace s9  }
0x27: {  	s1 =	sld [smem:$0x3FAB]  }
0x28: {  	s2 =	sld [smem:$0x3FAC]  }
0x29: {  	s4 =	sld [smem:$0x3FAE]  }
0x2a: {  	p0 =	seq.s32 s5, $0x0;
	s5 =	sld [smem:$0x3FAF]  }
0x2b: {  	s6 =	sld [smem:$0x3FB0]  }
0x2c: {  	s7 =	sld [smem:$0x3FB1]  }
0x2d: {  	s3 =	simm.s32 $0x108;
	s8 =	sld [smem:$0x3FB2]  }
0x2e: {  	s3 =	simm.s32 @!p0 $0x1082;
	s9 =	sld [smem:$0x3FB3]  }
0x2f: {  	lr =	sadd.s32 s0, s3;
	s0 =	sld [smem:$0x3FAA]  }
0x30: {  	s3 =	sld [smem:$0x3FAD]  }
0x31: {  	[smem:$0x3FB6] =	sst s10  }
0x32: {  	s10 =	sld [smem:$0x3FB4];
	_ =	sdelay $0x3  }
0x33: {  	p0 =	seq.s32 s10, $0x1;
	s10 =	sld [smem:$0x3FB6];
	_ =	sdelay $0x3  }
0x34: {  	[smem:$0x3FB6] =	sst s10  }
0x35: {  	s10 =	sld [smem:$0x3FB5];
	_ =	sdelay $0x3  }
0x36: {  	p1 =	seq.s32 s10, $0x1;
	s10 =	sld [smem:$0x3FB6];
	_ =	sdelay $0x3  }
0x37: {  	[smem:$0x3FB6] =	sst s10  }
0x38: {  	s10 =	sld [smem:$0x3FB7]  }
0x39: {  	_ = 	snop;
	(pc) =	sbr.ind lr, $3  }
0x3a: {  	_ = 	snop  }
0x3b: {  	_ = 	snop  }
0x3c: {  	p2 =	seq.s32 s10, $0x1;
	s10 =	sld [smem:$0x3FB6]  }
0x3d: {  	_ =	shalt  }
0x3e: {  	_ =	shalt  }
0x3f: {  	_ =	shalt  }
0x40: {  	_ =	shalt  }
0x41: {  	_ =	shalt  }
0x42: {  	_ =	shalt  }
0x43: {  	_ =	shalt  }
0x44: {  	_ =	shalt  }
0x45: {  	_ =	shalt  }
0x46: {  	_ =	shalt  }
0x47: {  	_ =	shalt  }
0x48: {  	_ =	shalt  }
0x49: {  	_ =	shalt  }
0x4a: {  	_ =	shalt  }
0x4b: {  	_ =	shalt  }
0x4c: {  	_ =	shalt  }
0x4d: {  	_ =	shalt  }
0x4e: {  	_ =	shalt  }
0x4f: {  	_ =	shalt  }
0x50: {  	_ =	shalt  }
0x51: {  	_ =	shalt  }
0x52: {  	_ =	shalt  }
0x53: {  	_ =	shalt  }
0x54: {  	_ =	shalt  }
0x55: {  	_ =	shalt  }
0x56: {  	_ =	shalt  }
0x57: {  	_ =	shalt  }
0x58: {  	_ =	shalt  }
0x59: {  	_ =	shalt  }
0x5a: {  	_ =	shalt  }
0x5b: {  	_ =	shalt  }
0x5c: {  	_ =	shalt  }
0x5d: {  	_ =	shalt  }
0x5e: {  	_ =	shalt  }
0x5f: {  	_ =	shalt  }
0x60: {  	_ =	shalt  }
0x61: {  	_ =	shalt  }
0x62: {  	_ =	shalt  }
0x63: {  	_ =	shalt  }
0x64: {  	_ =	shalt  }
0x65: {  	_ =	shalt  }
0x66: {  	_ =	shalt  }
0x67: {  	_ =	shalt  }
0x68: {  	_ =	shalt  }
0x69: {  	_ =	shalt  }
0x6a: {  	_ =	shalt  }
0x6b: {  	_ =	shalt  }
0x6c: {  	_ =	shalt  }
0x6d: {  	_ =	shalt  }
0x6e: {  	_ =	shalt  }
0x6f: {  	_ =	shalt  }
0x70: {  	_ =	shalt  }
0x71: {  	_ =	shalt  }
0x72: {  	_ =	shalt  }
0x73: {  	_ =	shalt  }
0x74: {  	_ =	shalt  }
0x75: {  	_ =	shalt  }
0x76: {  	_ =	shalt  }
0x77: {  	_ =	shalt  }
0x78: {  	_ =	shalt  }
0x79: {  	_ =	shalt  }
0x7a: {  	_ =	shalt  }
0x7b: {  	_ =	shalt  }
0x7c: {  	_ =	shalt  }
0x7d: {  	_ =	shalt  }
0x7e: {  	_ =	shalt  }
0x7f: {  	_ =	shalt  }
0x80: {  	_ =	shalt  }
0x81: {  	_ =	shalt  }
0x82: {  	_ =	shalt  }
0x83: {  	_ =	shalt  }
0x84: {  	_ =	shalt  }
0x85: {  	_ =	shalt  }
0x86: {  	_ =	shalt  }
0x87: {  	_ =	shalt  }
.Lfunc_end0:
.L_simem_size_0:
called_computation.1_lowered:
.L_overlay_start_0:
0x88: {  	s2 =	sld [smem:$0x3FD9]  }
0x89: {  	s3 =	sld [smem:$0x3FFE];
	_ =	sdelay $0x1  }
0x8a: {  	s1 =	srdreg.scid  }
0x8b: {  	s0 =	sand.u32 $0x1, s1  }
0x8c: {  	s16 =	sshll.u32 s0, $0xA;
	s2 =	sadd.s32 s3, s2  }
0x8d: {  	s2 =	sadd.s32 s2, s16  }
0x8e: {  	[smem:$0x3FC2] =	sst s2  }
0x8f: {  	_ = 	snop  }
0x90: {  	(tm) =	ssettm $0x1  }
0x91: {  	s17 =	sld [smem:$0x3FFB];
	_ =	sdelay $0x3  }
0x92: {  	_ =	strace s17  }
0x93: {  	s2 =	sld [smem:$0x3FFC];
	_ =	sdelay $0x3  }
0x94: {  	_ =	strace s2  }
0x95: {  	s2 =	sld [smem:$0x3FFD];
	_ =	sdelay $0x3  }
0x96: {  	_ =	strace s2  }
0x97: {  	_ =	strace $0x8FFFFFFF  }
0x98: {  	s18 =	sld [smem:$0x3FDB];
	_ =	sdelay $0x1  }
0x99: {  	s19 =	simm.s32 $_scs_section_size  }
0x9a: {  	s4 =	simm.s32 $_size__tile_overlayer_lowered;
	s5 =	simm.s32 $_tile_overlayer_lowered  }
0x9b: {  	s22 =	simm.s32 $0x1BFF;
	s21 =	sshll.u32 s5, $0x1;
	s2 =	sadd.s32 s19, s18  }
0x9c: {  	s6 =	simm.s32 $0x0;
	s20 =	sshll.u32 s4, $0x1;
	s4 =	sadd.s32 s21, s2  }
0x9d: {  	[timem:s6], [sflag:s22] =	dma.local [hbm:s4], s20  }
0x9e: {  	_ =	swait.ge [sflag:s22], s20  }
0x9f: {  	s3 =	ssub.s32 $0x0, s20;
	[sflag:s22] =	ssyncset.done $0x0  }
0xa0: {  	[sflag:s22] =	ssyncadd.s32 s3;
	_ =	sdelay $0x1  }
0xa1: {  	s23 =	simm.s32 $0x1B8B  }
0xa2: {  	_ =	swait.ge [sflag:s23], $0x1  }
0xa3: {  	[sflag:s23] =	ssyncset.done $0x0  }
0xa4: {  	s25 =	simm.s32 $0x1B8E;
	s24 =	sld [smem:$0x3FFE];
	[sflag:s23] =	ssyncadd.s32 $0xFFFFFFFF  }
0xa5: {  	s26 =	simm.s32 $execute0_lowered;
	[smem:$0x3FD2] =	sst s25  }
0xa6: {  	s4 =	sshll.u32 s26, $0x1;
	_ =	strace $0x80000049;
	[dreg:$0x1] =	wrdreg $0xFFFFFFFF  }
0xa7: {  	s28 =	simm.s32 $_size_execute0_lowered;
	s2 =	sadd.s32 s2, s4;
	[dreg:$0x0] =	wrdreg $0x0  }
0xa8: {  	s4 =	sshll.u32 s28, $0x1;
	[dreg:$0x2] =	wrdreg s2  }
0xa9: {  	[dreg:$0x3] =	wrdreg s4  }
0xaa: {  	[dreg:$0x4] =	wrdreg $0xC0  }
0xab: {  	_ =	task [dreg:s6], $0x5FFFF  }
0xac: {  	[dreg:$0x1] =	wrdreg $0xFFFFFFFF  }
0xad: {  	[dreg:$0x0] =	wrdreg $0x60  }
0xae: {  	[dreg:$0x2] =	wrdreg s24  }
0xaf: {  	[dreg:$0x3] =	wrdreg $0x9  }
0xb0: {  	_ =	task.clear_ibuf [dreg:s6], $0x4FFFF;
	_ =	strace $0x90000049  }
0xb1: {  	s29 =	simm.s32 $0x9;
	_ =	strace $0x8000004B  }
0xb2: {  	_ =	swait.ge [sflag:s29], $0x1  }
0xb3: {  	[sflag:s29] =	ssyncadd.s32 $0xFFFFFFFF  }
0xb4: {  	_ =	strace $0x9000004B  }
0xb5: {  	_ =	sfence  }
0xb6: {  	s30 =	sld [smem:$0x0];
	_ =	sdelay $0x2  }
0xb7: {  	s31 =	sshll.u32 s1, $0xD;
	s1 =	sshrl.u32 s1, $0x2  }
0xb8: {  	s3 =	sand.u32 $0x4000, s31;
	s1 =	sadd.s32 s1, s30  }
0xb9: {  	s0 =	sor.u32 s3, s0;
	s1 =	sshll.u32 s1, $0x11  }
0xba: {  	s0 =	sor.u32 s1, s0  }
0xbb: {  	s0 =	sadd.s32 $0x8F2B, s0  }
0xbc: {  	[sflag:s0] =	ssyncadd.remote.s32 $0x1  }
0xbd: {  	_ =	sfence.sel $0xFFFF  }
0xbe: {  	[dreg:$0x0] =	wrdreg $0xFFFFFFFF;
	(pc) =	sbr.abs _section_cstart, $3  }
0xbf: {  	[dreg:$0x1] =	wrdreg $0xFFFFFFFF  }
0xc0: {  	_ =	task.clear_ibuf [dreg:s6], $0x2FFFF;
	_ =	strace $0x9FFFFFFF  }
0xc1: {  	(tm) =	ssettm $0x7FFFFFFF  }
tec
execute0_lowered:
.L_overlay_start_1:
0x0: {  	(tag) =	ssettag $0x1  }
0x1: {  	s0 =	rddreg [dreg:$0x0];
	s1 =	srdreg.scid  }
0x2: {  	s3 =	stileid.u32;
	s2 =	simm.s32 $0x0;
	s10 =	simm.s32 $0x900  }
0x3: {  	s11 =	simm.s32 $0x1100;
	s12 =	simm.s32 $0x1900;
	s13 =	simm.s32 $0x2100  }
0x4: {  	s14 =	simm.s32 $0x2900;
	s15 =	simm.s32 $0x3100;
	s16 =	simm.s32 $0x3900  }
0x5: {  	s17 =	simm.s32 $0x4100;
	s18 =	simm.s32 $0x4900;
	s19 =	simm.s32 $0x5100  }
0x6: {  	s20 =	simm.s32 $0x5900;
	s21 =	simm.s32 $0x6100;
	s22 =	simm.s32 $0x6900  }
0x7: {  	s23 =	simm.s32 $0x7100;
	s24 =	simm.s32 $0x7900;
	s25 =	simm.s32 $0x8100  }
0x8: {  	s28 =	simm.s32 $0x9100;
	s29 =	simm.s32 $0x9900;
	s30 =	simm.s32 $0xA100  }
0x9: {  	s31 =	simm.s32 $0xA900;
	s1 =	sand.u32 $0x1, s1;
	s3 =	sshll.u32 s3, $0x1  }
0xa: {  	[smem:$0x7FF] =	sst s2;
	s7 =	sadd.s32 $0xAB000, s0;
	s4 =	sor.u32 s1, s3  }
0xb: {  	_ =	strace $0x8000004A;
	s5 =	sshll.u32 s4, $0x5;
	s6 =	smul.u32 $0x18000, s4  }
0xc: {  	s1 =	ssub.s32 $0x2, s1;
	s4 =	smul.u32 $0x3000, s4;
	s5 =	sadd.s32 s5, s0  }
0xd: {  	s3 =	sadd.s32 $0x1A400, s0;
	s8 =	sshrl.u32 s1, $0x1;
	s5 =	sadd.s32 $0xAAC00, s5  }
0xe: {  	s6 =	sshrl.u32 s6, $0x3;
	s4 =	sadd.s32 s7, s4;
	[dreg:$0x2] =	wrdreg s5  }
0xf: {  	s1 =	ssub.s32 s1, s8;
	s26 =	sadd.s32 s7, s6;
	[dreg:$0x3] =	wrdreg s4  }
0x10: {  	v2 =	vlaneseq.u32;
	s4 =	sadd.s32 $0x1A500, s0;
	s5 =	sadd.s32 $0x1A600, s0;
	s7 =	simm.s32 $0x2  }
0x11: {  	vm0 =	vmmov $0xffff;
	v1 =	vshrl.u32 v2, $0x3;
	s0 =	simm.s32 $0x100;
	s6 =	sadd.s32 $0x1800, s26;
	s26 =	simm.s32 $0x8900  }
0x12: {  	v0 =	vand.u32 $0x7, v2;
	v2 =	vor.u32 $0x8, v2;
	v1 =	vmul.u32 $0x8, v1;
	[dreg:$0x4] =	wrdreg s6;
	s6 =	smax.u32 s1, $0x1;
	s1 =	simm.s32 $0x1  }
.LBB2_1:
0x13: {  	s9 =	rddreg [dreg:$0x2]  }
0x14: {  	[tilespmem:s2], [sflag:$0x2] =	stream.linear.gather [hbm4b:s9+s2], $0x100, $0x38;
	[tilespmem:$0xC100] =	vst v63  }
0x15: {  	_ =	swait.ge [sflag:s7], $0x100  }
0x16: {  	[sflag:s7] =	ssyncset.done $0x0  }
0x17: {  	[sflag:s7] =	ssyncadd.s32 $0xFFFFFF00  }
0x18: {  	v3 =	vld [tilespmem:$0x0];
	_ =	sdelay $0x4  }
0x19: {  	v4 =	vshrl.u32 v3, $0x3  }
0x1a: {  	v4 =	vmul.u32 $0x30, v4  }
0x1b: {  	v3 =	vand.u32 $0x7, v3  }
0x1c: {  	v3 =	vor.u32 v3, v4  }
0x1d: {  	v4 =	vperm.xlane v3, v0;
	_ =	sdelay $0x1  }
0x1e: {  	v4 =	vadd.s32 v1, v4;
	_ =	sdelay $0x3  }
0x1f: {  	v3 =	vperm.xlane v3, v2  }
0x20: {  	[tilespmem:s0], [sflag:$0x1] =	stream.indirect_vreg.gather [hbm4b:s3+s2], $0x80, v4, vm0, $0xb8;
	[tilespmem:$0xC100] =	vst v63  }
0x21: {  	v3 =	vadd.s32 v1, v3  }
0x22: {  	[tilespmem:s10], [sflag:$0x1] =	stream.indirect_vreg.gather [hbm4b:s4+s2], $0x80, v4, vm0, $0xb8;
	[tilespmem:$0xC100] =	vst v63  }
0x23: {  	_ = 	snop  }
0x24: {  	[tilespmem:s11], [sflag:$0x1] =	stream.indirect_vreg.gather [hbm4b:s5+s2], $0x80, v4, vm0, $0xb8;
	[tilespmem:$0xC100] =	vst v63  }
0x25: {  	_ = 	snop  }
0x26: {  	[tilespmem:s12], [sflag:$0x1] =	stream.indirect_vreg.gather [hbm4b:s3+s2], $0x80, v3, vm0, $0xb8;
	[tilespmem:$0xC100] =	vst v63  }
0x27: {  	_ = 	snop  }
0x28: {  	[tilespmem:s13], [sflag:$0x1] =	stream.indirect_vreg.gather [hbm4b:s4+s2], $0x80, v3, vm0, $0xb8;
	[tilespmem:$0xC100] =	vst v63  }
0x29: {  	_ = 	snop  }
0x2a: {  	[tilespmem:s14], [sflag:$0x1] =	stream.indirect_vreg.gather [hbm4b:s5+s2], $0x80, v3, vm0, $0xb8;
	[tilespmem:$0xC100] =	vst v63  }
0x2b: {  	v3 =	vld [tilespmem:$0x10];
	_ =	sdelay $0x4  }
0x2c: {  	v57 =	vshrl.u32 v3, $0x3  }
0x2d: {  	v4 =	vmul.u32 $0x30, v57  }
0x2e: {  	v3 =	vand.u32 $0x7, v3  }
0x2f: {  	v3 =	vor.u32 v3, v4  }
0x30: {  	v4 =	vperm.xlane v3, v0;
	_ =	sdelay $0x1  }
0x31: {  	v4 =	vadd.s32 v1, v4;
	_ =	sdelay $0x3  }
0x32: {  	v3 =	vperm.xlane v3, v2  }
0x33: {  	[tilespmem:s15], [sflag:$0x1] =	stream.indirect_vreg.gather [hbm4b:s3+s2], $0x80, v4, vm0, $0xb8;
	[tilespmem:$0xC100] =	vst v63  }
0x34: {  	v3 =	vadd.s32 v1, v3  }
0x35: {  	[tilespmem:s16], [sflag:$0x1] =	stream.indirect_vreg.gather [hbm4b:s4+s2], $0x80, v4, vm0, $0xb8;
	[tilespmem:$0xC100] =	vst v63  }
0x36: {  	_ = 	snop  }
0x37: {  	[tilespmem:s17], [sflag:$0x1] =	stream.indirect_vreg.gather [hbm4b:s5+s2], $0x80, v4, vm0, $0xb8;
	[tilespmem:$0xC100] =	vst v63  }
0x38: {  	_ = 	snop  }
0x39: {  	[tilespmem:s18], [sflag:$0x1] =	stream.indirect_vreg.gather [hbm4b:s3+s2], $0x80, v3, vm0, $0xb8;
	[tilespmem:$0xC100] =	vst v63  }
0x3a: {  	_ = 	snop  }
0x3b: {  	[tilespmem:s19], [sflag:$0x1] =	stream.indirect_vreg.gather [hbm4b:s4+s2], $0x80, v3, vm0, $0xb8;
	[tilespmem:$0xC100] =	vst v63  }
0x3c: {  	_ = 	snop  }
0x3d: {  	[tilespmem:s20], [sflag:$0x1] =	stream.indirect_vreg.gather [hbm4b:s5+s2], $0x80, v3, vm0, $0xb8;
	[tilespmem:$0xC100] =	vst v63  }
0x3e: {  	v3 =	vld [tilespmem:$0x20];
	_ =	sdelay $0x4  }
0x3f: {  	v58 =	vshrl.u32 v3, $0x3  }
0x40: {  	v4 =	vmul.u32 $0x30, v58  }
0x41: {  	v3 =	vand.u32 $0x7, v3  }
0x42: {  	v3 =	vor.u32 v3, v4  }
0x43: {  	v4 =	vperm.xlane v3, v0;
	_ =	sdelay $0x1  }
0x44: {  	v4 =	vadd.s32 v1, v4;
	_ =	sdelay $0x3  }
0x45: {  	v3 =	vperm.xlane v3, v2  }
0x46: {  	[tilespmem:s21], [sflag:$0x1] =	stream.indirect_vreg.gather [hbm4b:s3+s2], $0x80, v4, vm0, $0xb8;
	[tilespmem:$0xC100] =	vst v63  }
0x47: {  	v3 =	vadd.s32 v1, v3  }
0x48: {  	[tilespmem:s22], [sflag:$0x1] =	stream.indirect_vreg.gather [hbm4b:s4+s2], $0x80, v4, vm0, $0xb8;
	[tilespmem:$0xC100] =	vst v63  }
0x49: {  	_ = 	snop  }
0x4a: {  	[tilespmem:s23], [sflag:$0x1] =	stream.indirect_vreg.gather [hbm4b:s5+s2], $0x80, v4, vm0, $0xb8;
	[tilespmem:$0xC100] =	vst v63  }
0x4b: {  	_ = 	snop  }
0x4c: {  	[tilespmem:s24], [sflag:$0x1] =	stream.indirect_vreg.gather [hbm4b:s3+s2], $0x80, v3, vm0, $0xb8;
	[tilespmem:$0xC100] =	vst v63  }
0x4d: {  	_ = 	snop  }
0x4e: {  	[tilespmem:s25], [sflag:$0x1] =	stream.indirect_vreg.gather [hbm4b:s4+s2], $0x80, v3, vm0, $0xb8;
	[tilespmem:$0xC100] =	vst v63  }
0x4f: {  	_ = 	snop  }
0x50: {  	[tilespmem:s26], [sflag:$0x1] =	stream.indirect_vreg.gather [hbm4b:s5+s2], $0x80, v3, vm0, $0xb8;
	[tilespmem:$0xC100] =	vst v63  }
0x51: {  	v3 =	vld [tilespmem:$0x30];
	_ =	sdelay $0x4  }
0x52: {  	v59 =	vshrl.u32 v3, $0x3  }
0x53: {  	v4 =	vmul.u32 $0x30, v59  }
0x54: {  	v3 =	vand.u32 $0x7, v3  }
0x55: {  	v3 =	vor.u32 v3, v4  }
0x56: {  	v4 =	vperm.xlane v3, v0;
	_ =	sdelay $0x1  }
0x57: {  	v4 =	vadd.s32 v1, v4;
	_ =	sdelay $0x3  }
0x58: {  	v3 =	vperm.xlane v3, v2  }
0x59: {  	[tilespmem:s28], [sflag:$0x1] =	stream.indirect_vreg.gather [hbm4b:s3+s2], $0x80, v4, vm0, $0xb8;
	[tilespmem:$0xC100] =	vst v63  }
0x5a: {  	v3 =	vadd.s32 v1, v3  }
0x5b: {  	[tilespmem:s29], [sflag:$0x1] =	stream.indirect_vreg.gather [hbm4b:s4+s2], $0x80, v4, vm0, $0xb8;
	[tilespmem:$0xC100] =	vst v63  }
0x5c: {  	_ = 	snop  }
0x5d: {  	[tilespmem:s30], [sflag:$0x1] =	stream.indirect_vreg.gather [hbm4b:s5+s2], $0x80, v4, vm0, $0xb8;
	[tilespmem:$0xC100] =	vst v63  }
0x5e: {  	_ = 	snop  }
0x5f: {  	[tilespmem:s31], [sflag:$0x1] =	stream.indirect_vreg.gather [hbm4b:s3+s2], $0x80, v3, vm0, $0xb8;
	[tilespmem:$0xC100] =	vst v63  }
0x60: {  	s8 =	simm.s32 $0xB100  }
0x61: {  	[tilespmem:s8], [sflag:$0x1] =	stream.indirect_vreg.gather [hbm4b:s4+s2], $0x80, v3, vm0, $0xb8;
	[tilespmem:$0xC100] =	vst v63  }
0x62: {  	s8 =	simm.s32 $0xB900  }
0x63: {  	[tilespmem:s8], [sflag:$0x1] =	stream.indirect_vreg.gather [hbm4b:s5+s2], $0x80, v3, vm0, $0xb8;
	[tilespmem:$0xC100] =	vst v63  }
0x64: {  	_ =	swait.ge [sflag:s1], $0xC000  }
0x65: {  	[sflag:s1] =	ssyncset.done $0x0  }
0x66: {  	s9 =	rddreg [dreg:$0x3];
	[sflag:s1] =	ssyncadd.s32 $0xFFFF4000  }
0x67: {  	[hbm4b:s9+s2] =	stream.linear.scatter [tilespmem:s0], [sflag:$0x2], $0xC000, $0x38;
	[tilespmem:$0xC100] =	vst v63  }
0x68: {  	_ =	swait.ge [sflag:s7], $0xC000  }
0x69: {  	[sflag:s7] =	ssyncset.done $0x0  }
0x6a: {  	[sflag:s7] =	ssyncadd.s32 $0xFFFF4000  }
0x6b: {  	v3 =	vld [tilespmem:$0x80];
	_ =	sdelay $0x4  }
0x6c: {  	v60 =	vshrl.u32 v3, $0x3  }
0x6d: {  	v4 =	vmul.u32 $0x30, v60  }
0x6e: {  	v3 =	vand.u32 $0x7, v3  }
0x6f: {  	v3 =	vor.u32 v3, v4  }
0x70: {  	v4 =	vperm.xlane v3, v0;
	_ =	sdelay $0x1  }
0x71: {  	v4 =	vadd.s32 v1, v4;
	_ =	sdelay $0x3  }
0x72: {  	v3 =	vperm.xlane v3, v2  }
0x73: {  	[tilespmem:s0], [sflag:$0x1] =	stream.indirect_vreg.gather [hbm4b:s3+s2], $0x80, v4, vm0, $0xb8;
	[tilespmem:$0xC100] =	vst v63  }
0x74: {  	v3 =	vadd.s32 v1, v3  }
0x75: {  	[tilespmem:s10], [sflag:$0x1] =	stream.indirect_vreg.gather [hbm4b:s4+s2], $0x80, v4, vm0, $0xb8;
	[tilespmem:$0xC100] =	vst v63  }
0x76: {  	_ = 	snop  }
0x77: {  	[tilespmem:s11], [sflag:$0x1] =	stream.indirect_vreg.gather [hbm4b:s5+s2], $0x80, v4, vm0, $0xb8;
	[tilespmem:$0xC100] =	vst v63  }
0x78: {  	_ = 	snop  }
0x79: {  	[tilespmem:s12], [sflag:$0x1] =	stream.indirect_vreg.gather [hbm4b:s3+s2], $0x80, v3, vm0, $0xb8;
	[tilespmem:$0xC100] =	vst v63  }
0x7a: {  	_ = 	snop  }
0x7b: {  	[tilespmem:s13], [sflag:$0x1] =	stream.indirect_vreg.gather [hbm4b:s4+s2], $0x80, v3, vm0, $0xb8;
	[tilespmem:$0xC100] =	vst v63  }
0x7c: {  	_ = 	snop  }
0x7d: {  	[tilespmem:s14], [sflag:$0x1] =	stream.indirect_vreg.gather [hbm4b:s5+s2], $0x80, v3, vm0, $0xb8;
	[tilespmem:$0xC100] =	vst v63  }
0x7e: {  	v3 =	vld [tilespmem:$0x90];
	_ =	sdelay $0x4  }
0x7f: {  	v61 =	vshrl.u32 v3, $0x3  }
0x80: {  	v4 =	vmul.u32 $0x30, v61  }
0x81: {  	v3 =	vand.u32 $0x7, v3  }
0x82: {  	v3 =	vor.u32 v3, v4  }
0x83: {  	v4 =	vperm.xlane v3, v0;
	_ =	sdelay $0x1  }
0x84: {  	v4 =	vadd.s32 v1, v4;
	_ =	sdelay $0x3  }
0x85: {  	v3 =	vperm.xlane v3, v2  }
0x86: {  	[tilespmem:s15], [sflag:$0x1] =	stream.indirect_vreg.gather [hbm4b:s3+s2], $0x80, v4, vm0, $0xb8;
	[tilespmem:$0xC100] =	vst v63  }
0x87: {  	v3 =	vadd.s32 v1, v3  }
0x88: {  	[tilespmem:s16], [sflag:$0x1] =	stream.indirect_vreg.gather [hbm4b:s4+s2], $0x80, v4, vm0, $0xb8;
	[tilespmem:$0xC100] =	vst v63  }
0x89: {  	_ = 	snop  }
0x8a: {  	[tilespmem:s17], [sflag:$0x1] =	stream.indirect_vreg.gather [hbm4b:s5+s2], $0x80, v4, vm0, $0xb8;
	[tilespmem:$0xC100] =	vst v63  }
0x8b: {  	_ = 	snop  }
0x8c: {  	[tilespmem:s18], [sflag:$0x1] =	stream.indirect_vreg.gather [hbm4b:s3+s2], $0x80, v3, vm0, $0xb8;
	[tilespmem:$0xC100] =	vst v63  }
0x8d: {  	_ = 	snop  }
0x8e: {  	[tilespmem:s19], [sflag:$0x1] =	stream.indirect_vreg.gather [hbm4b:s4+s2], $0x80, v3, vm0, $0xb8;
	[tilespmem:$0xC100] =	vst v63  }
0x8f: {  	_ = 	snop  }
0x90: {  	[tilespmem:s20], [sflag:$0x1] =	stream.indirect_vreg.gather [hbm4b:s5+s2], $0x80, v3, vm0, $0xb8;
	[tilespmem:$0xC100] =	vst v63  }
0x91: {  	v3 =	vld [tilespmem:$0xA0];
	_ =	sdelay $0x4  }
0x92: {  	v62 =	vshrl.u32 v3, $0x3  }
0x93: {  	v4 =	vmul.u32 $0x30, v62  }
0x94: {  	v3 =	vand.u32 $0x7, v3  }
0x95: {  	v3 =	vor.u32 v3, v4  }
0x96: {  	v4 =	vperm.xlane v3, v0;
	_ =	sdelay $0x1  }
0x97: {  	v4 =	vadd.s32 v1, v4;
	_ =	sdelay $0x3  }
0x98: {  	v3 =	vperm.xlane v3, v2  }
0x99: {  	[tilespmem:s21], [sflag:$0x1] =	stream.indirect_vreg.gather [hbm4b:s3+s2], $0x80, v4, vm0, $0xb8;
	[tilespmem:$0xC100] =	vst v63  }
0x9a: {  	v3 =	vadd.s32 v1, v3  }
0x9b: {  	[tilespmem:s22], [sflag:$0x1] =	stream.indirect_vreg.gather [hbm4b:s4+s2], $0x80, v4, vm0, $0xb8;
	[tilespmem:$0xC100] =	vst v63  }
0x9c: {  	_ = 	snop  }
0x9d: {  	[tilespmem:s23], [sflag:$0x1] =	stream.indirect_vreg.gather [hbm4b:s5+s2], $0x80, v4, vm0, $0xb8;
	[tilespmem:$0xC100] =	vst v63  }
0x9e: {  	_ = 	snop  }
0x9f: {  	[tilespmem:s24], [sflag:$0x1] =	stream.indirect_vreg.gather [hbm4b:s3+s2], $0x80, v3, vm0, $0xb8;
	[tilespmem:$0xC100] =	vst v63  }
0xa0: {  	_ = 	snop  }
0xa1: {  	[tilespmem:s25], [sflag:$0x1] =	stream.indirect_vreg.gather [hbm4b:s4+s2], $0x80, v3, vm0, $0xb8;
	[tilespmem:$0xC100] =	vst v63  }
0xa2: {  	_ = 	snop  }
0xa3: {  	[tilespmem:s26], [sflag:$0x1] =	stream.indirect_vreg.gather [hbm4b:s5+s2], $0x80, v3, vm0, $0xb8;
	[tilespmem:$0xC100] =	vst v63  }
0xa4: {  	v3 =	vld [tilespmem:$0xB0];
	_ =	sdelay $0x4  }
0xa5: {  	v63 =	vshrl.u32 v3, $0x3  }
0xa6: {  	v4 =	vmul.u32 $0x30, v63  }
0xa7: {  	v3 =	vand.u32 $0x7, v3  }
0xa8: {  	v3 =	vor.u32 v3, v4  }
0xa9: {  	v4 =	vperm.xlane v3, v0;
	_ =	sdelay $0x1  }
0xaa: {  	v4 =	vadd.s32 v1, v4;
	_ =	sdelay $0x3  }
0xab: {  	v3 =	vperm.xlane v3, v2  }
0xac: {  	[tilespmem:s28], [sflag:$0x1] =	stream.indirect_vreg.gather [hbm4b:s3+s2], $0x80, v4, vm0, $0xb8;
	[tilespmem:$0xC100] =	vst v63  }
0xad: {  	v3 =	vadd.s32 v1, v3  }
0xae: {  	[tilespmem:s29], [sflag:$0x1] =	stream.indirect_vreg.gather [hbm4b:s4+s2], $0x80, v4, vm0, $0xb8;
	[tilespmem:$0xC100] =	vst v63  }
0xaf: {  	_ = 	snop  }
0xb0: {  	[tilespmem:s30], [sflag:$0x1] =	stream.indirect_vreg.gather [hbm4b:s5+s2], $0x80, v4, vm0, $0xb8;
	[tilespmem:$0xC100] =	vst v63  }
0xb1: {  	_ = 	snop  }
0xb2: {  	[tilespmem:s31], [sflag:$0x1] =	stream.indirect_vreg.gather [hbm4b:s3+s2], $0x80, v3, vm0, $0xb8;
	[tilespmem:$0xC100] =	vst v63  }
0xb3: {  	s9 =	simm.s32 $0xB100  }
0xb4: {  	[tilespmem:s9], [sflag:$0x1] =	stream.indirect_vreg.gather [hbm4b:s4+s2], $0x80, v3, vm0, $0xb8;
	[tilespmem:$0xC100] =	vst v63  }
0xb5: {  	_ = 	snop  }
0xb6: {  	[tilespmem:s8], [sflag:$0x1] =	stream.indirect_vreg.gather [hbm4b:s5+s2], $0x80, v3, vm0, $0xb8;
	[tilespmem:$0xC100] =	vst v63  }
0xb7: {  	_ =	swait.ge [sflag:s1], $0xC000  }
0xb8: {  	p0 =	sne.s32 s6, $0x1;
	[sflag:s1] =	ssyncset.done $0x0  }
.Ltmp0:
0xb9: {  	s8 =	rddreg [dreg:$0x4];
	[sflag:s1] =	ssyncadd.s32 $0xFFFF4000;
	(pc) =	sbr.rel @p0 .LBB2_1-.Ltmp0, $4  }
0xba: {  	[hbm4b:s8+s2] =	stream.linear.scatter [tilespmem:s0], [sflag:$0x2], $0xC000, $0x38;
	[tilespmem:$0xC100] =	vst v63  }
0xbb: {  	_ =	swait.ge [sflag:s7], $0xC000  }
0xbc: {  	[sflag:s7] =	ssyncset.done $0x0  }
0xbd: {  	s6 =	sadd.s32 $0xFFFFFFFF, s6;
	[sflag:s7] =	ssyncadd.s32 $0xFFFF4000  }
0xbe: {  	_ =	sfence.sel $0x180000  }
0xbf: {  	[bflag:$0x0] =	sbarrier.arrive $0xFFFF  }
0xc0: {  	_ =	strace $0x9000004A  }
0xc1: {  	s0 =	stileid.u32;
	[bflag:$0x2] =	sbarrier.arrive $0xFFFF  }
0xc2: {  	p0 =	sne.s32 s0, $0x0;
	s0 =	rddreg [dreg:$0x1]  }
0xc3: {  	s0 =	sadd.s32 @!p0 $0x100000, s0  }
0xc4: {  	[sflag:s0] =	ssyncadd.tile.s32 @!p0 $0x1;
	_ =	shalt  }
.Lfunc_end2:
_tile_overlayer_lowered:
.L_overlay_start_2:
0xc5: {  	(tag) =	ssettag $0x2  }
0xc6: {  	s0 =	rddreg [dreg:$0x0];
	s2 =	stileid.u32  }
0xc7: {  	s1 =	rddreg [dreg:$0x1];
	p0 =	sne.s32 s2, $0x0  }
0xc8: {  	s3 =	rddreg [dreg:$0x2];
	[bflag:$0x3] =	sbarrier.arrive $0xFFFF;
	s2 =	simm.s32 @!p0 $0x1C02  }
0xc9: {  	[timem:s3], [sflag:s2] =	dma.local @!p0 [hbm:s0], s1  }
0xca: {  	s0 =	simm.s32 @!p0 $0x2  }
0xcb: {  	_ =	swait.ge @!p0 [sflag:s0], s1  }
0xcc: {  	s1 =	ssub.s32 @!p0 $0x0, s1;
	[sflag:s0] =	ssyncset.done @!p0 $0x0  }
0xcd: {  	[sflag:s0] =	ssyncadd.s32 @!p0 s1  }
0xce: {  	[bflag:$0x3] =	sbarrier.arrive $0xFFFF  }
0xcf: {  	_ =	shalt  }

// kernel: kernel.7.cloned.1.call-start
scs
__scs_entry_jumppad:
0x0: {  	(pc) =	sbr.rel $0x88, $3  }
0x1: {  	(tag) =	ssettag $0x0;
	lr =	simm.s32 $0x1  }
0x2: {  	[smem:$0x3F9B] =	sst lr;
	_ =	strace $0xD0000000  }
0x3: {  	_ = 	snop  }
0x4: {  	_ = 	snop  }
0x5: {  	_ = 	snop  }
0x6: {  	_ = 	snop  }
0x7: {  	_ = 	snop  }
__scs_overlays_trampoline_lowered:
0x8: {  	[smem:$0x3FAA] =	sst s0  }
0x9: {  	[smem:$0x3FAB] =	sst s1  }
0xa: {  	[smem:$0x3FAC] =	sst s2  }
0xb: {  	[smem:$0x3FAD] =	sst s3  }
0xc: {  	[smem:$0x3FAE] =	sst s4  }
0xd: {  	[smem:$0x3FAF] =	sst s5  }
0xe: {  	[smem:$0x3FB0] =	sst s6  }
0xf: {  	[smem:$0x3FB1] =	sst s7  }
0x10: {  	[smem:$0x3FB2] =	sst s8  }
0x11: {  	[smem:$0x3FB3] =	sst s9;
	s0 =	simm.s32 @!p0 $0x0  }
0x12: {  	s1 =	sld [smem:$0x3F99];
	s0 =	simm.s32 @p0 $0x1  }
0x13: {  	[smem:$0x3FB4] =	sst s0;
	s0 =	simm.s32 @!p1 $0x0  }
0x14: {  	s2 =	sld [smem:$0x3F98];
	s0 =	simm.s32 @p1 $0x1  }
0x15: {  	[smem:$0x3FB5] =	sst s0;
	s0 =	simm.s32 @!p2 $0x0  }
0x16: {  	s3 =	sld [smem:$0x3FDB];
	s0 =	simm.s32 @p2 $0x1  }
0x17: {  	s4 =	simm.s32 $0x1BF5;
	[smem:$0x3FB7] =	sst s0  }
0x18: {  	s0 =	sld [smem:$0x3F9A];
	_ =	swait.ge [sflag:s4], $0x0  }
0x19: {  	s7 =	sld [smem:$0x3F9B]  }
0x1a: {  	s8 =	sadd.s32 $0xFFFFE003, lr  }
0x1b: {  	s9 =	sadd.s32 $0xFFFFFEF7, lr;
	s5 =	simm.s32 $0xFFFFFFFF;
	p2 =	slt.u32 s8, $0xFFFFF086  }
0x1c: {  	p1 =	slt.u32 s9, $0xF7A;
	s5 =	simm.s32 @!p2 $0x0  }
0x1d: {  	s5 =	simm.s32 @p1 $0x1;
	p0 =	seq.s32 s7, s2  }
0x1e: {  	s7 =	smul.u32 @!p0 $0xF7A, s2;
	p2 =	seq.s32 @!p0 s5, $0x0  }
0x1f: {  	s9 =	smul.u32 $0xF7A, s1;
	s8 =	simm.s32 @!p0 $0x1BF5;
	p2 =	por !p2, p0  }
0x20: {  	[sflag:s8] =	ssyncset.s32 @!p0 $0xFFFFF086;
	s6 =	sadd.s32 @!p0 s3, s7;
	s7 =	simm.s32 @!p0 $0x108  }
0x21: {  	s3 =	sadd.s32 s3, s9;
	s6 =	sadd.s32 @!p0 $0x88, s6;
	s7 =	simm.s32 @p2 $0x1082  }
0x22: {  	[simem:s7], [sflag:s8] =	dma.local @!p0 [hbm:s6], $0xF7A  }
0x23: {  	s9 =	sor.u32 $0xD0000000, s2;
	s6 =	simm.s32 $0x108;
	_ =	swait.ge @!p0 [sflag:s8], $0x0  }
0x24: {  	s3 =	sadd.s32 $0x88, s3;
	s6 =	simm.s32 @!p1 $0x1082;
	[sflag:s4] =	ssyncset.s32 $0xFFFFF086  }
0x25: {  	[simem:s6], [sflag:s4] =	dma.local [hbm:s3], $0xF7A  }
0x26: {  	[smem:$0x3F9B] =	sst s1;
	(tag) =	ssettag s2;
	_ =	strace s9  }
0x27: {  	s1 =	sld [smem:$0x3FAB]  }
0x28: {  	s2 =	sld [smem:$0x3FAC]  }
0x29: {  	s4 =	sld [smem:$0x3FAE]  }
0x2a: {  	p0 =	seq.s32 s5, $0x0;
	s5 =	sld [smem:$0x3FAF]  }
0x2b: {  	s6 =	sld [smem:$0x3FB0]  }
0x2c: {  	s7 =	sld [smem:$0x3FB1]  }
0x2d: {  	s3 =	simm.s32 $0x108;
	s8 =	sld [smem:$0x3FB2]  }
0x2e: {  	s3 =	simm.s32 @!p0 $0x1082;
	s9 =	sld [smem:$0x3FB3]  }
0x2f: {  	lr =	sadd.s32 s0, s3;
	s0 =	sld [smem:$0x3FAA]  }
0x30: {  	s3 =	sld [smem:$0x3FAD]  }
0x31: {  	[smem:$0x3FB6] =	sst s10  }
0x32: {  	s10 =	sld [smem:$0x3FB4];
	_ =	sdelay $0x3  }
0x33: {  	p0 =	seq.s32 s10, $0x1;
	s10 =	sld [smem:$0x3FB6];
	_ =	sdelay $0x3  }
0x34: {  	[smem:$0x3FB6] =	sst s10  }
0x35: {  	s10 =	sld [smem:$0x3FB5];
	_ =	sdelay $0x3  }
0x36: {  	p1 =	seq.s32 s10, $0x1;
	s10 =	sld [smem:$0x3FB6];
	_ =	sdelay $0x3  }
0x37: {  	[smem:$0x3FB6] =	sst s10  }
0x38: {  	s10 =	sld [smem:$0x3FB7]  }
0x39: {  	_ = 	snop;
	(pc) =	sbr.ind lr, $3  }
0x3a: {  	_ = 	snop  }
0x3b: {  	_ = 	snop  }
0x3c: {  	p2 =	seq.s32 s10, $0x1;
	s10 =	sld [smem:$0x3FB6]  }
0x3d: {  	_ =	shalt  }
0x3e: {  	_ =	shalt  }
0x3f: {  	_ =	shalt  }
0x40: {  	_ =	shalt  }
0x41: {  	_ =	shalt  }
0x42: {  	_ =	shalt  }
0x43: {  	_ =	shalt  }
0x44: {  	_ =	shalt  }
0x45: {  	_ =	shalt  }
0x46: {  	_ =	shalt  }
0x47: {  	_ =	shalt  }
0x48: {  	_ =	shalt  }
0x49: {  	_ =	shalt  }
0x4a: {  	_ =	shalt  }
0x4b: {  	_ =	shalt  }
0x4c: {  	_ =	shalt  }
0x4d: {  	_ =	shalt  }
0x4e: {  	_ =	shalt  }
0x4f: {  	_ =	shalt  }
0x50: {  	_ =	shalt  }
0x51: {  	_ =	shalt  }
0x52: {  	_ =	shalt  }
0x53: {  	_ =	shalt  }
0x54: {  	_ =	shalt  }
0x55: {  	_ =	shalt  }
0x56: {  	_ =	shalt  }
0x57: {  	_ =	shalt  }
0x58: {  	_ =	shalt  }
0x59: {  	_ =	shalt  }
0x5a: {  	_ =	shalt  }
0x5b: {  	_ =	shalt  }
0x5c: {  	_ =	shalt  }
0x5d: {  	_ =	shalt  }
0x5e: {  	_ =	shalt  }
0x5f: {  	_ =	shalt  }
0x60: {  	_ =	shalt  }
0x61: {  	_ =	shalt  }
0x62: {  	_ =	shalt  }
0x63: {  	_ =	shalt  }
0x64: {  	_ =	shalt  }
0x65: {  	_ =	shalt  }
0x66: {  	_ =	shalt  }
0x67: {  	_ =	shalt  }
0x68: {  	_ =	shalt  }
0x69: {  	_ =	shalt  }
0x6a: {  	_ =	shalt  }
0x6b: {  	_ =	shalt  }
0x6c: {  	_ =	shalt  }
0x6d: {  	_ =	shalt  }
0x6e: {  	_ =	shalt  }
0x6f: {  	_ =	shalt  }
0x70: {  	_ =	shalt  }
0x71: {  	_ =	shalt  }
0x72: {  	_ =	shalt  }
0x73: {  	_ =	shalt  }
0x74: {  	_ =	shalt  }
0x75: {  	_ =	shalt  }
0x76: {  	_ =	shalt  }
0x77: {  	_ =	shalt  }
0x78: {  	_ =	shalt  }
0x79: {  	_ =	shalt  }
0x7a: {  	_ =	shalt  }
0x7b: {  	_ =	shalt  }
0x7c: {  	_ =	shalt  }
0x7d: {  	_ =	shalt  }
0x7e: {  	_ =	shalt  }
0x7f: {  	_ =	shalt  }
0x80: {  	_ =	shalt  }
0x81: {  	_ =	shalt  }
0x82: {  	_ =	shalt  }
0x83: {  	_ =	shalt  }
0x84: {  	_ =	shalt  }
0x85: {  	_ =	shalt  }
0x86: {  	_ =	shalt  }
0x87: {  	_ =	shalt  }
.Lfunc_end0:
.L_simem_size_0:
called_computation_lowered:
.L_overlay_start_0:
0x88: {  	s2 =	sld [smem:$0x3FD9]  }
0x89: {  	s3 =	sld [smem:$0x3FFE];
	_ =	sdelay $0x1  }
0x8a: {  	s1 =	srdreg.scid  }
0x8b: {  	s0 =	sand.u32 $0x1, s1  }
0x8c: {  	s17 =	sshll.u32 s0, $0xA;
	s2 =	sadd.s32 s3, s2  }
0x8d: {  	s2 =	sadd.s32 s2, s17  }
0x8e: {  	[smem:$0x3FC2] =	sst s2  }
0x8f: {  	_ = 	snop  }
0x90: {  	s2 =	sld [smem:$0x3FC9];
	(tm) =	ssettm $0x1  }
0x91: {  	s18 =	sld [smem:$0x3FFB];
	_ =	sdelay $0x3  }
0x92: {  	_ =	strace s18  }
0x93: {  	s3 =	sld [smem:$0x3FFC];
	_ =	sdelay $0x3  }
0x94: {  	_ =	strace s3  }
0x95: {  	s3 =	sld [smem:$0x3FFD];
	_ =	sdelay $0x3  }
0x96: {  	_ =	strace s3  }
0x97: {  	_ =	strace $0x8FFFFFFF  }
0x98: {  	s19 =	sld [smem:$0x3FDB];
	_ =	sdelay $0x1  }
0x99: {  	s4 =	simm.s32 $_scs_section_size  }
0x9a: {  	s5 =	simm.s32 $_size__tile_overlayer_lowered;
	s6 =	simm.s32 $_tile_overlayer_lowered  }
0x9b: {  	s22 =	simm.s32 $0x1BFF;
	s21 =	sshll.u32 s6, $0x1;
	s3 =	sadd.s32 s4, s19  }
0x9c: {  	s7 =	simm.s32 $0x0;
	s20 =	sshll.u32 s5, $0x1;
	s5 =	sadd.s32 s21, s3  }
0x9d: {  	[timem:s7], [sflag:s22] =	dma.local [hbm:s5], s20  }
0x9e: {  	_ =	swait.ge [sflag:s22], s20  }
0x9f: {  	s4 =	ssub.s32 $0x0, s20;
	[sflag:s22] =	ssyncset.done $0x0  }
0xa0: {  	[sflag:s22] =	ssyncadd.s32 s4;
	_ =	sdelay $0x1  }
0xa1: {  	s23 =	simm.s32 $0x1B8B  }
0xa2: {  	_ =	swait.ge [sflag:s23], $0x1  }
0xa3: {  	[sflag:s23] =	ssyncset.done $0x0  }
0xa4: {  	s25 =	simm.s32 $0x1B8E;
	s24 =	sld [smem:$0x3FFE];
	[sflag:s23] =	ssyncadd.s32 $0xFFFFFFFF  }
0xa5: {  	s26 =	simm.s32 $execute0_lowered;
	[smem:$0x3FD2] =	sst s25  }
0xa6: {  	s5 =	sshll.u32 s26, $0x1;
	_ =	strace $0x80000046;
	[dreg:$0x1] =	wrdreg $0xFFFFFFFF  }
0xa7: {  	s28 =	simm.s32 $_size_execute0_lowered;
	s3 =	sadd.s32 s3, s5;
	[dreg:$0x0] =	wrdreg $0x0  }
0xa8: {  	s5 =	sshll.u32 s28, $0x1;
	[dreg:$0x2] =	wrdreg s3  }
0xa9: {  	[dreg:$0x3] =	wrdreg s5  }
0xaa: {  	[dreg:$0x4] =	wrdreg $0xC0  }
0xab: {  	_ =	task [dreg:s7], $0x5FFFF  }
0xac: {  	[dreg:$0x1] =	wrdreg $0xFFFFFFFF  }
0xad: {  	[dreg:$0x0] =	wrdreg $0x60  }
0xae: {  	[dreg:$0x2] =	wrdreg s2  }
0xaf: {  	[dreg:$0x3] =	wrdreg s24  }
0xb0: {  	[dreg:$0x4] =	wrdreg $0x9  }
0xb1: {  	_ =	task.clear_ibuf [dreg:s7], $0x5FFFF;
	_ =	strace $0x90000046  }
0xb2: {  	s29 =	simm.s32 $0x9;
	_ =	strace $0x80000048  }
0xb3: {  	_ =	swait.ge [sflag:s29], $0x1  }
0xb4: {  	[sflag:s29] =	ssyncadd.s32 $0xFFFFFFFF  }
0xb5: {  	_ =	strace $0x90000048  }
0xb6: {  	_ =	sfence  }
0xb7: {  	s30 =	sld [smem:$0x0];
	_ =	sdelay $0x2  }
0xb8: {  	s31 =	sshll.u32 s1, $0xD;
	s1 =	sshrl.u32 s1, $0x2  }
0xb9: {  	s3 =	sand.u32 $0x4000, s31;
	s1 =	sadd.s32 s1, s30  }
0xba: {  	s0 =	sor.u32 s3, s0;
	s1 =	sshll.u32 s1, $0x11  }
0xbb: {  	s0 =	sor.u32 s1, s0  }
0xbc: {  	s0 =	sadd.s32 $0x8F2B, s0  }
0xbd: {  	[sflag:s0] =	ssyncadd.remote.s32 $0x1  }
0xbe: {  	_ =	sfence.sel $0xFFFF  }
0xbf: {  	[dreg:$0x0] =	wrdreg $0xFFFFFFFF;
	(pc) =	sbr.abs _section_cstart, $3  }
0xc0: {  	[dreg:$0x1] =	wrdreg $0xFFFFFFFF  }
0xc1: {  	_ =	task.clear_ibuf [dreg:s7], $0x2FFFF;
	_ =	strace $0x9FFFFFFF  }
0xc2: {  	(tm) =	ssettm $0x7FFFFFFF  }
0xc3: {  	_ =	shalt  }
tec
execute0_lowered:
.L_overlay_start_1:
0x0: {  	(tag) =	ssettag $0x1  }
0x1: {  	s0 =	srdreg.scid  }
0x2: {  	s2 =	stileid.u32;
	s1 =	rddreg [dreg:$0x0]  }
0x3: {  	s5 =	rddreg [dreg:$0x1];
	s10 =	simm.s32 $0x900;
	s11 =	simm.s32 $0x1100  }
0x4: {  	s12 =	simm.s32 $0x1900;
	s13 =	simm.s32 $0x2100;
	s14 =	simm.s32 $0x2900  }
0x5: {  	s15 =	simm.s32 $0x3100;
	s16 =	simm.s32 $0x3900;
	s17 =	simm.s32 $0x4100  }
0x6: {  	s18 =	simm.s32 $0x4900;
	s19 =	simm.s32 $0x5100;
	s20 =	simm.s32 $0x5900  }
0x7: {  	s21 =	simm.s32 $0x6100;
	s22 =	simm.s32 $0x6900;
	s23 =	simm.s32 $0x7100  }
0x8: {  	s24 =	simm.s32 $0x7900;
	s25 =	simm.s32 $0x8100;
	s26 =	simm.s32 $0x8900  }
0x9: {  	s28 =	simm.s32 $0x9100;
	s0 =	sand.u32 $0x1, s0;
	s2 =	sshll.u32 s2, $0x1  }
0xa: {  	s29 =	simm.s32 $0x9900;
	s30 =	simm.s32 $0xA100;
	s3 =	sor.u32 s0, s2  }
0xb: {  	s31 =	simm.s32 $0xA900;
	s2 =	simm.s32 $0x0;
	s4 =	sshll.u32 s3, $0x4  }
0xc: {  	s0 =	ssub.s32 $0x2, s0;
	[smem:$0x7FF] =	sst s2;
	s4 =	sand.u32 $0xF0, s4  }
0xd: {  	s3 =	sshll.u32 s3, $0x5;
	s8 =	sshrl.u32 s0, $0x1;
	s7 =	smul.u32 $0x1800, s4  }
0xe: {  	_ =	strace $0x80000047;
	s6 =	sadd.s32 s3, s5;
	s4 =	smul.u32 $0x300, s4  }
0xf: {  	s3 =	sadd.s32 $0x1A800, s5;
	s0 =	ssub.s32 s0, s8;
	s6 =	sadd.s32 $0x1A400, s6  }
0x10: {  	[dreg:$0x3] =	wrdreg s6;
	s7 =	sshrl.u32 s7, $0x3;
	s4 =	sadd.s32 s1, s4  }
0x11: {  	v2 =	vlaneseq.u32;
	s6 =	smax.u32 s0, $0x1;
	s1 =	sadd.s32 s1, s7;
	[dreg:$0x4] =	wrdreg s4  }
0x12: {  	vm0 =	vmmov $0xffff;
	v1 =	vshrl.u32 v2, $0x3;
	s4 =	sadd.s32 $0x1A900, s5;
	s5 =	sadd.s32 $0x1AA00, s5;
	s1 =	sadd.s32 $0x1800, s1  }
0x13: {  	v0 =	vand.u32 $0x7, v2;
	v2 =	vor.u32 $0x8, v2;
	v1 =	vmul.u32 $0x8, v1;
	s7 =	simm.s32 $0x2;
	[dreg:$0x5] =	wrdreg s1;
	s1 =	simm.s32 $0x1  }
.LBB2_1:
0x14: {  	s9 =	rddreg [dreg:$0x3]  }
0x15: {  	[tilespmem:s2], [sflag:$0x2] =	stream.linear.gather [hbm4b:s9+s2], $0x100, $0x38;
	[tilespmem:$0xC100] =	vst v63  }
0x16: {  	_ =	swait.ge [sflag:s7], $0x100  }
0x17: {  	[sflag:s7] =	ssyncset.done $0x0  }
0x18: {  	s0 =	simm.s32 $0x100;
	s8 =	rddreg [dreg:$0x4];
	[sflag:s7] =	ssyncadd.s32 $0xFFFFFF00  }
0x19: {  	[tilespmem:s0], [sflag:$0x2] =	stream.linear.gather [hbm4b:s8+s2], $0xC000, $0x38;
	[tilespmem:$0xC100] =	vst v63  }
0x1a: {  	_ =	swait.ge [sflag:s7], $0xC000  }
0x1b: {  	[sflag:s7] =	ssyncset.done $0x0  }
0x1c: {  	[sflag:s7] =	ssyncadd.s32 $0xFFFF4000  }
0x1d: {  	v3 =	vld [tilespmem:$0x0];
	_ =	sdelay $0x4  }
0x1e: {  	v4 =	vshrl.u32 v3, $0x3  }
0x1f: {  	v4 =	vmul.u32 $0x30, v4  }
0x20: {  	v3 =	vand.u32 $0x7, v3  }
0x21: {  	v3 =	vor.u32 v3, v4  }
0x22: {  	v4 =	vperm.xlane v3, v0;
	_ =	sdelay $0x1  }
0x23: {  	v4 =	vadd.s32 v1, v4;
	_ =	sdelay $0x3  }
0x24: {  	v3 =	vperm.xlane v3, v2  }
0x25: {  	[hbm4b:s3+s2] =	stream.indirect_vreg.scatter [tilespmem:s0], [sflag:$0x1], $0x80, v4, vm0, $0xb8;
	[tilespmem:$0xC100] =	vst v63  }
0x26: {  	v3 =	vadd.s32 v1, v3  }
0x27: {  	[hbm4b:s4+s2] =	stream.indirect_vreg.scatter [tilespmem:s10], [sflag:$0x1], $0x80, v4, vm0, $0xb8;
	[tilespmem:$0xC100] =	vst v63  }
0x28: {  	_ = 	snop  }
0x29: {  	[hbm4b:s5+s2] =	stream.indirect_vreg.scatter [tilespmem:s11], [sflag:$0x1], $0x80, v4, vm0, $0xb8;
	[tilespmem:$0xC100] =	vst v63  }
0x2a: {  	_ = 	snop  }
0x2b: {  	[hbm4b:s3+s2] =	stream.indirect_vreg.scatter [tilespmem:s12], [sflag:$0x1], $0x80, v3, vm0, $0xb8;
	[tilespmem:$0xC100] =	vst v63  }
0x2c: {  	_ = 	snop  }
0x2d: {  	[hbm4b:s4+s2] =	stream.indirect_vreg.scatter [tilespmem:s13], [sflag:$0x1], $0x80, v3, vm0, $0xb8;
	[tilespmem:$0xC100] =	vst v63  }
0x2e: {  	_ = 	snop  }
0x2f: {  	[hbm4b:s5+s2] =	stream.indirect_vreg.scatter [tilespmem:s14], [sflag:$0x1], $0x80, v3, vm0, $0xb8;
	[tilespmem:$0xC100] =	vst v63  }
0x30: {  	v3 =	vld [tilespmem:$0x10];
	_ =	sdelay $0x4  }
0x31: {  	v57 =	vshrl.u32 v3, $0x3  }
0x32: {  	v4 =	vmul.u32 $0x30, v57  }
0x33: {  	v3 =	vand.u32 $0x7, v3  }
0x34: {  	v3 =	vor.u32 v3, v4  }
0x35: {  	v4 =	vperm.xlane v3, v0;
	_ =	sdelay $0x1  }
0x36: {  	v4 =	vadd.s32 v1, v4;
	_ =	sdelay $0x3  }
0x37: {  	v3 =	vperm.xlane v3, v2  }
0x38: {  	[hbm4b:s3+s2] =	stream.indirect_vreg.scatter [tilespmem:s15], [sflag:$0x1], $0x80, v4, vm0, $0xb8;
	[tilespmem:$0xC100] =	vst v63  }
0x39: {  	v3 =	vadd.s32 v1, v3  }
0x3a: {  	[hbm4b:s4+s2] =	stream.indirect_vreg.scatter [tilespmem:s16], [sflag:$0x1], $0x80, v4, vm0, $0xb8;
	[tilespmem:$0xC100] =	vst v63  }
0x3b: {  	_ = 	snop  }
0x3c: {  	[hbm4b:s5+s2] =	stream.indirect_vreg.scatter [tilespmem:s17], [sflag:$0x1], $0x80, v4, vm0, $0xb8;
	[tilespmem:$0xC100] =	vst v63  }
0x3d: {  	_ = 	snop  }
0x3e: {  	[hbm4b:s3+s2] =	stream.indirect_vreg.scatter [tilespmem:s18], [sflag:$0x1], $0x80, v3, vm0, $0xb8;
	[tilespmem:$0xC100] =	vst v63  }
0x3f: {  	_ = 	snop  }
0x40: {  	[hbm4b:s4+s2] =	stream.indirect_vreg.scatter [tilespmem:s19], [sflag:$0x1], $0x80, v3, vm0, $0xb8;
	[tilespmem:$0xC100] =	vst v63  }
0x41: {  	_ = 	snop  }
0x42: {  	[hbm4b:s5+s2] =	stream.indirect_vreg.scatter [tilespmem:s20], [sflag:$0x1], $0x80, v3, vm0, $0xb8;
	[tilespmem:$0xC100] =	vst v63  }
0x43: {  	v3 =	vld [tilespmem:$0x20];
	_ =	sdelay $0x4  }
0x44: {  	v58 =	vshrl.u32 v3, $0x3  }
0x45: {  	v4 =	vmul.u32 $0x30, v58  }
0x46: {  	v3 =	vand.u32 $0x7, v3  }
0x47: {  	v3 =	vor.u32 v3, v4  }
0x48: {  	v4 =	vperm.xlane v3, v0;
	_ =	sdelay $0x1  }
0x49: {  	v4 =	vadd.s32 v1, v4;
	_ =	sdelay $0x3  }
0x4a: {  	v3 =	vperm.xlane v3, v2  }
0x4b: {  	[hbm4b:s3+s2] =	stream.indirect_vreg.scatter [tilespmem:s21], [sflag:$0x1], $0x80, v4, vm0, $0xb8;
	[tilespmem:$0xC100] =	vst v63  }
0x4c: {  	v3 =	vadd.s32 v1, v3  }
0x4d: {  	[hbm4b:s4+s2] =	stream.indirect_vreg.scatter [tilespmem:s22], [sflag:$0x1], $0x80, v4, vm0, $0xb8;
	[tilespmem:$0xC100] =	vst v63  }
0x4e: {  	_ = 	snop  }
0x4f: {  	[hbm4b:s5+s2] =	stream.indirect_vreg.scatter [tilespmem:s23], [sflag:$0x1], $0x80, v4, vm0, $0xb8;
	[tilespmem:$0xC100] =	vst v63  }
0x50: {  	_ = 	snop  }
0x51: {  	[hbm4b:s3+s2] =	stream.indirect_vreg.scatter [tilespmem:s24], [sflag:$0x1], $0x80, v3, vm0, $0xb8;
	[tilespmem:$0xC100] =	vst v63  }
0x52: {  	_ = 	snop  }
0x53: {  	[hbm4b:s4+s2] =	stream.indirect_vreg.scatter [tilespmem:s25], [sflag:$0x1], $0x80, v3, vm0, $0xb8;
	[tilespmem:$0xC100] =	vst v63  }
0x54: {  	_ = 	snop  }
0x55: {  	[hbm4b:s5+s2] =	stream.indirect_vreg.scatter [tilespmem:s26], [sflag:$0x1], $0x80, v3, vm0, $0xb8;
	[tilespmem:$0xC100] =	vst v63  }
0x56: {  	v3 =	vld [tilespmem:$0x30];
	_ =	sdelay $0x4  }
0x57: {  	v59 =	vshrl.u32 v3, $0x3  }
0x58: {  	v4 =	vmul.u32 $0x30, v59  }
0x59: {  	v3 =	vand.u32 $0x7, v3  }
0x5a: {  	v3 =	vor.u32 v3, v4  }
0x5b: {  	v4 =	vperm.xlane v3, v0;
	_ =	sdelay $0x1  }
0x5c: {  	v4 =	vadd.s32 v1, v4;
	_ =	sdelay $0x3  }
0x5d: {  	v3 =	vperm.xlane v3, v2  }
0x5e: {  	[hbm4b:s3+s2] =	stream.indirect_vreg.scatter [tilespmem:s28], [sflag:$0x1], $0x80, v4, vm0, $0xb8;
	[tilespmem:$0xC100] =	vst v63  }
0x5f: {  	v3 =	vadd.s32 v1, v3  }
0x60: {  	[hbm4b:s4+s2] =	stream.indirect_vreg.scatter [tilespmem:s29], [sflag:$0x1], $0x80, v4, vm0, $0xb8;
	[tilespmem:$0xC100] =	vst v63  }
0x61: {  	_ = 	snop  }
0x62: {  	[hbm4b:s5+s2] =	stream.indirect_vreg.scatter [tilespmem:s30], [sflag:$0x1], $0x80, v4, vm0, $0xb8;
	[tilespmem:$0xC100] =	vst v63  }
0x63: {  	_ = 	snop  }
0x64: {  	[hbm4b:s3+s2] =	stream.indirect_vreg.scatter [tilespmem:s31], [sflag:$0x1], $0x80, v3, vm0, $0xb8;
	[tilespmem:$0xC100] =	vst v63  }
0x65: {  	s8 =	simm.s32 $0xB100  }
0x66: {  	[hbm4b:s4+s2] =	stream.indirect_vreg.scatter [tilespmem:s8], [sflag:$0x1], $0x80, v3, vm0, $0xb8;
	[tilespmem:$0xC100] =	vst v63  }
0x67: {  	s8 =	simm.s32 $0xB900  }
0x68: {  	[hbm4b:s5+s2] =	stream.indirect_vreg.scatter [tilespmem:s8], [sflag:$0x1], $0x80, v3, vm0, $0xb8;
	[tilespmem:$0xC100] =	vst v63  }
0x69: {  	_ =	swait.ge [sflag:s1], $0xC000  }
0x6a: {  	[sflag:s1] =	ssyncset.done $0x0  }
0x6b: {  	s9 =	rddreg [dreg:$0x5];
	[sflag:s1] =	ssyncadd.s32 $0xFFFF4000  }
0x6c: {  	[tilespmem:s0], [sflag:$0x2] =	stream.linear.gather [hbm4b:s9+s2], $0xC000, $0x38;
	[tilespmem:$0xC100] =	vst v63  }
0x6d: {  	_ =	swait.ge [sflag:s7], $0xC000  }
0x6e: {  	[sflag:s7] =	ssyncset.done $0x0  }
0x6f: {  	[sflag:s7] =	ssyncadd.s32 $0xFFFF4000  }
0x70: {  	v3 =	vld [tilespmem:$0x80];
	_ =	sdelay $0x4  }
0x71: {  	v60 =	vshrl.u32 v3, $0x3  }
0x72: {  	v4 =	vmul.u32 $0x30, v60  }
0x73: {  	v3 =	vand.u32 $0x7, v3  }
0x74: {  	v3 =	vor.u32 v3, v4  }
0x75: {  	v4 =	vperm.xlane v3, v0;
	_ =	sdelay $0x1  }
0x76: {  	v4 =	vadd.s32 v1, v4;
	_ =	sdelay $0x3  }
0x77: {  	v3 =	vperm.xlane v3, v2  }
0x78: {  	[hbm4b:s3+s2] =	stream.indirect_vreg.scatter [tilespmem:s0], [sflag:$0x1], $0x80, v4, vm0, $0xb8;
	[tilespmem:$0xC100] =	vst v63  }
0x79: {  	v3 =	vadd.s32 v1, v3  }
0x7a: {  	[hbm4b:s4+s2] =	stream.indirect_vreg.scatter [tilespmem:s10], [sflag:$0x1], $0x80, v4, vm0, $0xb8;
	[tilespmem:$0xC100] =	vst v63  }
0x7b: {  	_ = 	snop  }
0x7c: {  	[hbm4b:s5+s2] =	stream.indirect_vreg.scatter [tilespmem:s11], [sflag:$0x1], $0x80, v4, vm0, $0xb8;
	[tilespmem:$0xC100] =	vst v63  }
0x7d: {  	_ = 	snop  }
0x7e: {  	[hbm4b:s3+s2] =	stream.indirect_vreg.scatter [tilespmem:s12], [sflag:$0x1], $0x80, v3, vm0, $0xb8;
	[tilespmem:$0xC100] =	vst v63  }
0x7f: {  	_ = 	snop  }
0x80: {  	[hbm4b:s4+s2] =	stream.indirect_vreg.scatter [tilespmem:s13], [sflag:$0x1], $0x80, v3, vm0, $0xb8;
	[tilespmem:$0xC100] =	vst v63  }
0x81: {  	_ = 	snop  }
0x82: {  	[hbm4b:s5+s2] =	stream.indirect_vreg.scatter [tilespmem:s14], [sflag:$0x1], $0x80, v3, vm0, $0xb8;
	[tilespmem:$0xC100] =	vst v63  }
0x83: {  	v3 =	vld [tilespmem:$0x90];
	_ =	sdelay $0x4  }
0x84: {  	v61 =	vshrl.u32 v3, $0x3  }
0x85: {  	v4 =	vmul.u32 $0x30, v61  }
0x86: {  	v3 =	vand.u32 $0x7, v3  }
0x87: {  	v3 =	vor.u32 v3, v4  }
0x88: {  	v4 =	vperm.xlane v3, v0;
	_ =	sdelay $0x1  }
0x89: {  	v4 =	vadd.s32 v1, v4;
	_ =	sdelay $0x3  }
0x8a: {  	v3 =	vperm.xlane v3, v2  }
0x8b: {  	[hbm4b:s3+s2] =	stream.indirect_vreg.scatter [tilespmem:s15], [sflag:$0x1], $0x80, v4, vm0, $0xb8;
	[tilespmem:$0xC100] =	vst v63  }
0x8c: {  	v3 =	vadd.s32 v1, v3  }
0x8d: {  	[hbm4b:s4+s2] =	stream.indirect_vreg.scatter [tilespmem:s16], [sflag:$0x1], $0x80, v4, vm0, $0xb8;
	[tilespmem:$0xC100] =	vst v63  }
0x8e: {  	_ = 	snop  }
0x8f: {  	[hbm4b:s5+s2] =	stream.indirect_vreg.scatter [tilespmem:s17], [sflag:$0x1], $0x80, v4, vm0, $0xb8;
	[tilespmem:$0xC100] =	vst v63  }
0x90: {  	_ = 	snop  }
0x91: {  	[hbm4b:s3+s2] =	stream.indirect_vreg.scatter [tilespmem:s18], [sflag:$0x1], $0x80, v3, vm0, $0xb8;
	[tilespmem:$0xC100] =	vst v63  }
0x92: {  	_ = 	snop  }
0x93: {  	[hbm4b:s4+s2] =	stream.indirect_vreg.scatter [tilespmem:s19], [sflag:$0x1], $0x80, v3, vm0, $0xb8;
	[tilespmem:$0xC100] =	vst v63  }
0x94: {  	_ = 	snop  }
0x95: {  	[hbm4b:s5+s2] =	stream.indirect_vreg.scatter [tilespmem:s20], [sflag:$0x1], $0x80, v3, vm0, $0xb8;
	[tilespmem:$0xC100] =	vst v63  }
0x96: {  	v3 =	vld [tilespmem:$0xA0];
	_ =	sdelay $0x4  }
0x97: {  	v62 =	vshrl.u32 v3, $0x3  }
0x98: {  	v4 =	vmul.u32 $0x30, v62  }
0x99: {  	v3 =	vand.u32 $0x7, v3  }
0x9a: {  	v3 =	vor.u32 v3, v4  }
0x9b: {  	v4 =	vperm.xlane v3, v0;
	_ =	sdelay $0x1  }
0x9c: {  	v4 =	vadd.s32 v1, v4;
	_ =	sdelay $0x3  }
0x9d: {  	v3 =	vperm.xlane v3, v2  }
0x9e: {  	[hbm4b:s3+s2] =	stream.indirect_vreg.scatter [tilespmem:s21], [sflag:$0x1], $0x80, v4, vm0, $0xb8;
	[tilespmem:$0xC100] =	vst v63  }
0x9f: {  	v3 =	vadd.s32 v1, v3  }
0xa0: {  	[hbm4b:s4+s2] =	stream.indirect_vreg.scatter [tilespmem:s22], [sflag:$0x1], $0x80, v4, vm0, $0xb8;
	[tilespmem:$0xC100] =	vst v63  }
0xa1: {  	_ = 	snop  }
0xa2: {  	[hbm4b:s5+s2] =	stream.indirect_vreg.scatter [tilespmem:s23], [sflag:$0x1], $0x80, v4, vm0, $0xb8;
	[tilespmem:$0xC100] =	vst v63  }
0xa3: {  	_ = 	snop  }
0xa4: {  	[hbm4b:s3+s2] =	stream.indirect_vreg.scatter [tilespmem:s24], [sflag:$0x1], $0x80, v3, vm0, $0xb8;
	[tilespmem:$0xC100] =	vst v63  }
0xa5: {  	_ = 	snop  }
0xa6: {  	[hbm4b:s4+s2] =	stream.indirect_vreg.scatter [tilespmem:s25], [sflag:$0x1], $0x80, v3, vm0, $0xb8;
	[tilespmem:$0xC100] =	vst v63  }
0xa7: {  	_ = 	snop  }
0xa8: {  	[hbm4b:s5+s2] =	stream.indirect_vreg.scatter [tilespmem:s26], [sflag:$0x1], $0x80, v3, vm0, $0xb8;
	[tilespmem:$0xC100] =	vst v63  }
0xa9: {  	v3 =	vld [tilespmem:$0xB0];
	_ =	sdelay $0x4  }
0xaa: {  	v63 =	vshrl.u32 v3, $0x3  }
0xab: {  	v4 =	vmul.u32 $0x30, v63  }
0xac: {  	v3 =	vand.u32 $0x7, v3  }
0xad: {  	v3 =	vor.u32 v3, v4  }
0xae: {  	v4 =	vperm.xlane v3, v0;
	_ =	sdelay $0x1  }
0xaf: {  	v4 =	vadd.s32 v1, v4;
	_ =	sdelay $0x3  }
0xb0: {  	v3 =	vperm.xlane v3, v2  }
0xb1: {  	[hbm4b:s3+s2] =	stream.indirect_vreg.scatter [tilespmem:s28], [sflag:$0x1], $0x80, v4, vm0, $0xb8;
	[tilespmem:$0xC100] =	vst v63  }
0xb2: {  	v3 =	vadd.s32 v1, v3  }
0xb3: {  	[hbm4b:s4+s2] =	stream.indirect_vreg.scatter [tilespmem:s29], [sflag:$0x1], $0x80, v4, vm0, $0xb8;
	[tilespmem:$0xC100] =	vst v63  }
0xb4: {  	_ = 	snop  }
0xb5: {  	[hbm4b:s5+s2] =	stream.indirect_vreg.scatter [tilespmem:s30], [sflag:$0x1], $0x80, v4, vm0, $0xb8;
	[tilespmem:$0xC100] =	vst v63  }
0xb6: {  	_ = 	snop  }
0xb7: {  	[hbm4b:s3+s2] =	stream.indirect_vreg.scatter [tilespmem:s31], [sflag:$0x1], $0x80, v3, vm0, $0xb8;
	[tilespmem:$0xC100] =	vst v63  }
0xb8: {  	p0 =	sne.s32 s6, $0x1;
	s9 =	simm.s32 $0xB100  }
0xb9: {  	[hbm4b:s4+s2] =	stream.indirect_vreg.scatter [tilespmem:s9], [sflag:$0x1], $0x80, v3, vm0, $0xb8;
	[tilespmem:$0xC100] =	vst v63  }
.Ltmp0:
0xba: {  	_ = 	snop;
	(pc) =	sbr.rel @p0 .LBB2_1-.Ltmp0, $4  }
0xbb: {  	[hbm4b:s5+s2] =	stream.indirect_vreg.scatter [tilespmem:s8], [sflag:$0x1], $0x80, v3, vm0, $0xb8;
	[tilespmem:$0xC100] =	vst v63  }
0xbc: {  	_ =	swait.ge [sflag:s1], $0xC000  }
0xbd: {  	[sflag:s1] =	ssyncset.done $0x0  }
0xbe: {  	s6 =	sadd.s32 $0xFFFFFFFF, s6;
	[sflag:s1] =	ssyncadd.s32 $0xFFFF4000  }
0xbf: {  	_ =	sfence.sel $0x180000  }
0xc0: {  	[bflag:$0x0] =	sbarrier.arrive $0xFFFF  }
0xc1: {  	_ =	strace $0x90000047  }
0xc2: {  	s0 =	stileid.u32;
	[bflag:$0x2] =	sbarrier.arrive $0xFFFF  }
0xc3: {  	p0 =	sne.s32 s0, $0x0;
	s0 =	rddreg [dreg:$0x2]  }
0xc4: {  	s0 =	sadd.s32 @!p0 $0x100000, s0  }
0xc5: {  	[sflag:s0] =	ssyncadd.tile.s32 @!p0 $0x1;
	_ =	shalt  }
.Lfunc_end2:
_tile_overlayer_lowered:
.L_overlay_start_2:
0xc6: {  	(tag) =	ssettag $0x2  }
0xc7: {  	s0 =	rddreg [dreg:$0x0];
	s2 =	stileid.u32  }
0xc8: {  	s1 =	rddreg [dreg:$0x1];
	p0 =	sne.s32 s2, $0x0  }
0xc9: {  	s3 =	rddreg [dreg:$0x2];
	[bflag:$0x3] =	sbarrier.arrive $0xFFFF;
	s2 =	simm.s32 @!p0 $0x1C02  }
0xca: {  	[timem:s3], [sflag:s2] =	dma.local @!p0 [hbm:s0], s1  }
0xcb: {  	s0 =	simm.s32 @!p0 $0x2  }
0xcc: {  	_ =	swait.ge @!p0 [sflag:s0], s1  }
0xcd: {  	s1 =	ssub.s32 @!p0 $0x0, s1;
	[sflag:s0] =	ssyncset.done @!p0 $0x0  }
0xce: {  	[sflag:s0] =	ssyncadd.s32 @!p0 s1  }
0xcf: {  	[bflag:$0x3] =	sbarrier.arrive $0xFFFF  }
0xd0: {  	_ =	shalt  }

</sc_bundles>
